<compile_context>
chip_gen: v7x
topology: tpu7x:2x2x1
jax: 0.10.2.dev20260603
libtpu: 0.0.44.dev20260713+nightly
codegen_flags: <defaults>
</compile_context>

<pallas_src>
import functools

import jax
import jax.numpy as jnp
from jax import lax
from jax.experimental import pallas as pl
from jax.experimental.pallas import tpu as pltpu, tpu_sc as plsc

_CH = 128
_SB = 1024


def _pack_bf16_pair(a, b):
    i32 = jnp.int32
    ya = lax.bitcast_convert_type(a, i32)
    yb = lax.bitcast_convert_type(b, i32)
    ta = ya + 0x7FFF + ((ya >> 16) & 1)
    tb = yb + 0x7FFF + ((yb >> 16) & 1)
    packed = (ta & i32(-65536)) | ((tb >> 16) & 0xFFFF)
    return lax.bitcast_convert_type(packed, jnp.float32)


def _tc_repack(i2eT, eye):
    F, N = i2eT.shape
    G = 8
    BW = G * 4 * _SB
    nsb = -(-N // (4 * _SB))
    nb = -(-nsb // G)
    TN = (((0,), (0,)), ((), ()))

    def body(blk_ref, eye_ref, out_ref):
        blk = blk_ref[...]
        e = eye_ref[...]
        for g in range(G):
            q = [lax.dot_general(
                    blk[:, (4 * g + k) * _SB:(4 * g + k + 1) * _SB],
                    e, TN, preferred_element_type=jnp.float32)
                 for k in range(4)]
            rows = slice(g * _SB, (g + 1) * _SB)
            out_ref[rows, :F] = _pack_bf16_pair(q[0], q[1])
            out_ref[rows, F:] = _pack_bf16_pair(q[2], q[3])

    return pl.pallas_call(
        body,
        grid=(nb,),
        in_specs=[
            pl.BlockSpec((F, BW), lambda m: (0, m)),
            pl.BlockSpec((F, F), lambda m: (0, 0)),
        ],
        out_specs=pl.BlockSpec((G * _SB, 2 * F), lambda m: (m, 0)),
        out_shape=jax.ShapeDtypeStruct((nb * G * _SB, 2 * F), jnp.float32),
        compiler_params=pltpu.CompilerParams(
            dimension_semantics=("arbitrary",),
            fuse_transposed_lhs_in_matmul=True),
    )(i2eT, eye)


def _sc_pair_gather(w, jidx3):
    NW, n_ch, ch = jidx3.shape
    T = NW * n_ch * ch
    D2 = w.shape[1]
    info = plsc.get_sparse_core_info()
    NC = info.num_cores
    mesh = plsc.VectorSubcoreMesh(core_axis_name="c", subcore_axis_name="s")
    b_per_w = n_ch * ch

    @functools.partial(
        pl.kernel,
        mesh=mesh,
        out_type=jax.ShapeDtypeStruct((T, D2), jnp.float32),
        scratch_types=[
            pltpu.VMEM((n_ch, ch), jnp.int32),
            pltpu.VMEM((ch, D2), jnp.float32),
            pltpu.VMEM((ch, D2), jnp.float32),
            pltpu.SemaphoreType.DMA,
            pltpu.SemaphoreType.DMA,
        ],
    )
    def k(w_hbm, idx_hbm, out_hbm, idx_v, buf_a, buf_b, sem_a, sem_b):
        wid = lax.axis_index("s") * NC + lax.axis_index("c")
        base = wid * b_per_w
        pltpu.sync_copy(idx_hbm.at[wid], idx_v)
        bufs = (buf_a, buf_b)
        sems = (sem_a, sem_b)
        descs = {0: pltpu.async_copy(w_hbm.at[idx_v.at[0]], buf_a, sem_a)}
        for j in range(n_ch):
            if j + 1 < n_ch:
                descs[j + 1] = pltpu.async_copy(
                    w_hbm.at[idx_v.at[j + 1]],
                    bufs[(j + 1) % 2], sems[(j + 1) % 2])
            descs[j].wait()
            pltpu.sync_copy(bufs[j % 2],
                            out_hbm.at[pl.ds(base + j * ch, ch)])

    return k(w, jidx3)


def _tc_uselect(u2eT, nodes2d):
    F, N = u2eT.shape
    Bn = nodes2d.shape[1]
    BK = 16384
    nb = -(-N // BK)
    f32 = jnp.float32

    def body(u_ref, n_ref, out_ref):
        i = pl.program_id(0)

        @pl.when(i == 0)
        def _init():
            out_ref[...] = jnp.zeros((F, Bn), f32)

        tcol = lax.broadcasted_iota(jnp.int32, (BK, Bn), 0) + i * BK
        oh = (tcol == n_ref[...]).astype(f32)
        valid = (lax.broadcasted_iota(jnp.int32, (1, BK), 1) + i * BK) < N
        u = jnp.where(valid, u_ref[...], 0.0)
        out_ref[...] += lax.dot_general(
            u, oh, (((1,), (0,)), ((), ())), preferred_element_type=f32)

    return pl.pallas_call(
        body,
        grid=(nb,),
        in_specs=[
            pl.BlockSpec((F, BK), lambda i: (0, i)),
            pl.BlockSpec((1, Bn), lambda i: (0, 0)),
        ],
        out_specs=pl.BlockSpec((F, Bn), lambda i: (0, 0)),
        out_shape=jax.ShapeDtypeStruct((F, Bn), f32),
        compiler_params=pltpu.CompilerParams(
            dimension_semantics=("arbitrary",)),
    )(u2eT, nodes2d)


def _tc_fused(p2, half2d, rk2d, cu_lo, cu_hi, u_selT, r2e8,
              w1p, w1r, b1c, w2, b2c, a1o, a1u, a1bc, a2, a2bc, a3r, a3b):
    T = p2.shape[0]
    D = p2.shape[1] // 2
    Bn = cu_lo.shape[0]
    BT = 2048
    nb = T // BT
    f32 = jnp.float32
    NT = (((1,), (1,)), ((), ()))
    NN = (((1,), (0,)), ((), ()))

    def dot(a, b, dn):
        return lax.dot_general(a, b, dn, preferred_element_type=f32)

    def body(p_ref, hf_ref, rk_ref, clo_ref, chi_ref, uselT_ref, r2e_ref,
             w1p_ref, w1r_ref, b1_ref, w2_ref, b2_ref,
             a1o_ref, a1u_ref, a1b_ref, a2_ref, a2b_ref, a3_ref, a3b_ref,
             out_ref, m_ref, z_ref):
        i = pl.program_id(0)

        @pl.when(i == 0)
        def _init():
            m_ref[...] = jnp.full((Bn, 1), -1e30, f32)
            z_ref[...] = jnp.zeros((Bn, 1), f32)
            out_ref[...] = jnp.zeros((Bn, D), f32)

        yi = lax.bitcast_convert_type(p_ref[...], jnp.int32)
        hi = lax.bitcast_convert_type(yi & jnp.int32(-65536), f32)
        lo = lax.bitcast_convert_type(yi << 16, f32)
        xs = [dot(w1p_ref[...], quarter, NT)
              for quarter in (hi[:, :D], lo[:, :D], hi[:, D:], lo[:, D:])]
        qs = hf_ref[...]
        xp = jnp.where(qs < 2,
                       jnp.where(qs == 0, xs[0], xs[1]),
                       jnp.where(qs == 2, xs[2], xs[3]))
        oh_r = (lax.broadcasted_iota(jnp.int32, (8, BT), 0)
                == rk_ref[...]).astype(f32)
        rbT = dot(w1r_ref[...], r2e_ref[...], NT)
        x = jnp.maximum(xp + dot(rbT, oh_r, NN) + b1_ref[...], 0.0)
        o = jnp.maximum(dot(w2_ref[...], x, NN) + b2_ref[...], 0.0)

        t = lax.broadcasted_iota(jnp.int32, (Bn, BT), 1) + i * BT
        mask = (t >= clo_ref[...]) & (t < chi_ref[...])

        ubT = dot(a1u_ref[...], uselT_ref[...], NN) + a1b_ref[...]
        h = jnp.maximum(dot(a1o_ref[...], o, NN)
                        + dot(ubT, mask.astype(f32), NN), 0.0)
        h2 = jnp.maximum(dot(a2_ref[...], h, NN) + a2b_ref[...], 0.0)
        s = dot(a3_ref[...], h2, NN) + a3b_ref[...]

        sb = jnp.broadcast_to(s, (Bn, BT))
        bm = jnp.max(jnp.where(mask, sb, -1e30), axis=1, keepdims=True)
        m_old = m_ref[...]
        m_new = jnp.maximum(m_old, bm)
        scale = jnp.exp(m_old - m_new)
        e = jnp.where(mask, jnp.exp(sb - m_new), 0.0)
        z_ref[...] = z_ref[...] * scale + jnp.sum(e, axis=1, keepdims=True)
        out_ref[...] = out_ref[...] * scale + dot(e, o, NT)
        m_ref[...] = m_new

        @pl.when(i == nb - 1)
        def _fin():
            z = z_ref[...]
            out_ref[...] = jnp.where(z > 0.0, out_ref[...] / z, 0.0)

    full = lambda shape: pl.BlockSpec(shape, lambda i: (0, 0))
    return pl.pallas_call(
        body,
        grid=(nb,),
        in_specs=[
            pl.BlockSpec((BT, 2 * D), lambda i: (i, 0)),
            pl.BlockSpec((1, BT), lambda i: (0, i)),
            pl.BlockSpec((1, BT), lambda i: (0, i)),
            full((Bn, 1)), full((Bn, 1)),
            full((D, Bn)), full((8, D)),
            full((D, D)), full((D, D)), full((D, 1)),
            full((D, D)), full((D, 1)),
            full((D, D)), full((D, D)), full((D, 1)),
            full((D, D)), full((D, 1)),
            full((1, D)), full((1, 1)),
        ],
        out_specs=pl.BlockSpec((Bn, D), lambda i: (0, 0)),
        out_shape=jax.ShapeDtypeStruct((Bn, D), jnp.float32),
        scratch_shapes=[
            pltpu.VMEM((Bn, 1), f32),
            pltpu.VMEM((Bn, 1), f32),
        ],
        compiler_params=pltpu.CompilerParams(
            dimension_semantics=("arbitrary",)),
    )(p2, half2d, rk2d, cu_lo, cu_hi, u_selT, r2e8,
      w1p, w1r, b1c, w2, b2c, a1o, a1u, a1bc, a2, a2bc, a3r, a3b)


def kernel(nodes, flat_item_idx, flat_rating_idx, cu_seqlens,
           u2e, i2e, r2e, w1_W, w1_b, w2_W, w2_b,
           a1_W, a1_b, a2_W, a2_b, a3_W, a3_b):
    T = flat_item_idx.shape[0]
    Bn = nodes.shape[0]
    D = i2e.shape[1]
    info = plsc.get_sparse_core_info()
    NW = info.num_cores * info.num_subcores
    n_ch = T // (NW * _CH)

    i2eT = jnp.swapaxes(i2e, 0, 1)
    u2eT = jnp.swapaxes(u2e, 0, 1)
    w = _tc_repack(i2eT, jnp.eye(D, dtype=jnp.float32))

    idx = flat_item_idx.astype(jnp.int32)
    jrow = (idx // (4 * _SB)) * _SB + idx % _SB
    half = (idx // _SB) % 4
    jidx3 = jrow.reshape(NW, n_ch, _CH)
    p2 = _sc_pair_gather(w, jidx3)

    nodes32 = nodes.astype(jnp.int32)
    u_selT = _tc_uselect(u2eT, nodes32.reshape(1, Bn))

    cu = cu_seqlens.astype(jnp.int32)
    rk2d = flat_rating_idx.astype(jnp.int32).reshape(1, T)
    half2d = half.reshape(1, T)
    cu_lo = cu[:Bn].reshape(Bn, 1)
    cu_hi = cu[1:Bn + 1].reshape(Bn, 1)
    r2e8 = jnp.pad(r2e, ((0, 8 - r2e.shape[0]), (0, 0)))
    w1p, w1r = w1_W[:, :D], w1_W[:, D:]
    a1o, a1u = a1_W[:, :D], a1_W[:, D:]
    return _tc_fused(
        p2, half2d, rk2d, cu_lo, cu_hi, u_selT, r2e8,
        w1p, w1r, w1_b.reshape(D, 1),
        w2_W, w2_b.reshape(D, 1),
        a1o, a1u, a1_b.reshape(D, 1),
        a2_W, a2_b.reshape(D, 1),
        a3_W.reshape(1, D), a3_b.reshape(1, 1),
    )

# --- scband reference (transcript-rebuilt; emitter-appended) ---
"""Pipeline reference for scband-user-encode-59717225283584 (READ-ONLY COPY).

The authoritative reference and input builder live on the scoring server;
editing this copy changes nothing except your own understanding.
"""

import jax, jax.numpy as jnp
import numpy as np

B = 16
T = 32768
D = 64
NUM_USERS = 100000
NUM_ITEMS = 1000000
NUM_RATINGS = 5


def _linear_init(k, out_d, in_d):
    lim = 1.0 / np.sqrt(in_d)
    kw, kb = jax.random.split(k)
    W = jax.random.uniform(kw, (out_d, in_d), jnp.float32, -lim, lim)
    b = jax.random.uniform(kb, (out_d,), jnp.float32, -lim, lim)
    return W, b


def setup_inputs(seed: int = 0) -> dict:
    key = jax.random.key(seed)
    ks = jax.random.split(key, 16)
    nodes = jax.random.randint(ks[0], (B,), 0, NUM_USERS)
    flat_item_idx = jax.random.randint(ks[1], (T,), 0, NUM_ITEMS)
    flat_rating_idx = jax.random.randint(ks[2], (T,), 0, NUM_RATINGS)
    bounds = jnp.sort(jax.random.randint(ks[3], (B - 1,), 0, T)).astype(jnp.int32)
    cu_seqlens = jnp.concatenate([jnp.zeros((1,), jnp.int32), bounds, jnp.full((1,), T, jnp.int32)])
    s = 0.05
    u2e = jax.random.normal(ks[4], (NUM_USERS, D), jnp.float32) * s
    i2e = jax.random.normal(ks[5], (NUM_ITEMS, D), jnp.float32) * s
    r2e = jax.random.normal(ks[6], (NUM_RATINGS, D), jnp.float32) * s
    w1_W, w1_b = _linear_init(ks[7], D, 2 * D)
    w2_W, w2_b = _linear_init(ks[8], D, D)
    a1_W, a1_b = _linear_init(ks[9], D, 2 * D)
    a2_W, a2_b = _linear_init(ks[10], D, D)
    a3_W, a3_b = _linear_init(ks[11], 1, D)
    return {"nodes": nodes, "flat_item_idx": flat_item_idx,
            "flat_rating_idx": flat_rating_idx, "cu_seqlens": cu_seqlens,
            "u2e": u2e, "i2e": i2e, "r2e": r2e,
            "w1_W": w1_W, "w1_b": w1_b, "w2_W": w2_W, "w2_b": w2_b,
            "a1_W": a1_W, "a1_b": a1_b, "a2_W": a2_W, "a2_b": a2_b,
            "a3_W": a3_W, "a3_b": a3_b}


def reference(nodes, flat_item_idx, flat_rating_idx, cu_seqlens,
              u2e, i2e, r2e, w1_W, w1_b, w2_W, w2_b,
              a1_W, a1_b, a2_W, a2_b, a3_W, a3_b):
    # Ragged flat equivalent of the per-user Python loop in UserEncode.forward.
    T_ = flat_item_idx.shape[0]
    Bn = nodes.shape[0]
    seg_ids = jnp.searchsorted(cu_seqlens,
                               jnp.arange(T_, dtype=cu_seqlens.dtype),
                               side='right') - 1
    # gathers: p_embed = i2e.weight[j], r_embed = r2e.weight[k]
    p = jnp.take(i2e, flat_item_idx, axis=0)
    r = jnp.take(r2e, flat_rating_idx, axis=0)
    # x = relu(w_1(cat(p, r))); o = relu(w_2(x))
    x = jax.nn.relu(jnp.concatenate([p, r], axis=1) @ w1_W.T + w1_b)
    o = jax.nn.relu(x @ w2_W.T + w2_b)
    # Attention: u_rep repeated over each user's history
    u_rep = jnp.take(u2e, nodes, axis=0)
    u_tok = jnp.take(u_rep, seg_ids, axis=0)
    h = jax.nn.relu(jnp.concatenate([o, u_tok], axis=1) @ a1_W.T + a1_b)
    h = jax.nn.relu(h @ a2_W.T + a2_b)  # dropout is identity in eval mode
    scores = (h @ a3_W.T + a3_b)[:, 0]
    # per-segment softmax over each user's history (F.softmax(x, dim=0) per user)
    seg_max = jax.ops.segment_max(scores, seg_ids, num_segments=Bn)
    e = jnp.exp(scores - jnp.take(seg_max, seg_ids))
    denom = jax.ops.segment_sum(e, seg_ids, num_segments=Bn)
    att = e / jnp.take(denom, seg_ids)
    # att_history = o.T @ att_w, per segment -> weighted segment sum
    embed = jax.ops.segment_sum(o * att[:, None], seg_ids, num_segments=Bn)
    return embed

if __name__ == "__main__":
    import jax
    _d = setup_inputs()
    print(jax.jit(kernel)(*tuple(_d.values())))

</pallas_src>

<mosaic_0001>
#map = affine_map<(d0, d1) -> (0, 0)>
#map1 = affine_map<(d0, d1) -> (0, 0, 0)>
module attributes {stable_mosaic.version = 14 : i64} {
  func.func @k(%arg0: i32, %arg1: i32, %arg2: memref<253952x128xf32, #tpu.memory_space<hbm>>, %arg3: memref<32x8x128xi32, #tpu.memory_space<hbm>>, %arg4: memref<32768x128xf32, #tpu.memory_space<hbm>>, %arg5: memref<8x128xi32, #tpu.memory_space<vmem>>, %arg6: memref<128x128xf32, #tpu.memory_space<vmem>>, %arg7: memref<128x128xf32, #tpu.memory_space<vmem>>, %arg8: memref<!tpu.dma_semaphore, #tpu.memory_space<semaphore_mem>>, %arg9: memref<!tpu.dma_semaphore, #tpu.memory_space<semaphore_mem>>) attributes {dimension_semantics = [#tpu.dimension_semantics<core_parallel>, #tpu.dimension_semantics<subcore_parallel>], iteration_bounds = array<i64: 2, 16>, scalar_prefetch = 0 : i64, scratch_operands = 5 : i64, tpu.core_type = #tpu.core_type<sc_vector_subcore>, window_params = [{transform_indices = #map}, {transform_indices = #map1}, {transform_indices = #map}]} {
    %mul3A = arith.constant 2 : i32
    %mul3A_0 = arith.muli %arg1, %mul3A : i32
    %add3A = arith.addi %mul3A_0, %arg0 : i32
    %mul3A_1 = arith.constant 1024 : i32
    %mul3A_2 = arith.muli %add3A, %mul3A_1 : i32
    "tpu.region"() ({
      %run_scoped3A = tpu.sem_alloc : memref<!tpu.dma_semaphore, #tpu.memory_space<semaphore_mem>>
      %dma_start3A_129 = arith.constant 0 : i32
      %dma_start3A_130 = arith.constant 0 : i32
      %dma_start3A_131 = tpu.memref_slice %arg3[%add3A, %dma_start3A_129, %dma_start3A_130] : memref<32x8x128xi32, #tpu.memory_space<hbm>> -> memref<1x8x128xi32, #tpu.memory_space<hbm>>
      %dma_start3A_132 = tpu.memref_squeeze %dma_start3A_131 : memref<1x8x128xi32, #tpu.memory_space<hbm>> -> memref<8x128xi32, #tpu.memory_space<hbm>>
      %dma_start3A_133 = arith.constant 0 : i32
      %dma_start3A_134 = arith.constant 0 : i32
      %dma_start3A_135 = tpu.memref_slice %arg3[%add3A, %dma_start3A_133, %dma_start3A_134] : memref<32x8x128xi32, #tpu.memory_space<hbm>> -> memref<1x8x128xi32, #tpu.memory_space<hbm>>
      %dma_start3A_136 = tpu.memref_squeeze %dma_start3A_135 : memref<1x8x128xi32, #tpu.memory_space<hbm>> -> memref<8x128xi32, #tpu.memory_space<hbm>>
      tpu.enqueue_dma source(%dma_start3A_136 : memref<8x128xi32, #tpu.memory_space<hbm>>) target(%arg5 : memref<8x128xi32, #tpu.memory_space<vmem>>) target_semaphore(%run_scoped3A : memref<!tpu.dma_semaphore, #tpu.memory_space<semaphore_mem>>)
      %dma_wait3A_137 = arith.constant 0 : i32
      %dma_wait3A_138 = arith.constant 0 : i32
      %dma_wait3A_139 = tpu.memref_slice %arg3[%add3A, %dma_wait3A_137, %dma_wait3A_138] : memref<32x8x128xi32, #tpu.memory_space<hbm>> -> memref<1x8x128xi32, #tpu.memory_space<hbm>>
      %dma_wait3A_140 = tpu.memref_squeeze %dma_wait3A_139 : memref<1x8x128xi32, #tpu.memory_space<hbm>> -> memref<8x128xi32, #tpu.memory_space<hbm>>
      %dma_wait3A_141 = arith.constant 0 : i32
      %dma_wait3A_142 = arith.constant 0 : i32
      %dma_wait3A_143 = tpu.memref_slice %arg3[%add3A, %dma_wait3A_141, %dma_wait3A_142] : memref<32x8x128xi32, #tpu.memory_space<hbm>> -> memref<1x8x128xi32, #tpu.memory_space<hbm>>
      %dma_wait3A_144 = tpu.memref_squeeze %dma_wait3A_143 : memref<1x8x128xi32, #tpu.memory_space<hbm>> -> memref<8x128xi32, #tpu.memory_space<hbm>>
      tpu.wait_dma2 semaphore(%run_scoped3A : memref<!tpu.dma_semaphore, #tpu.memory_space<semaphore_mem>>) src(%dma_wait3A_144 : memref<8x128xi32, #tpu.memory_space<hbm>>) dst(%arg5 : memref<8x128xi32, #tpu.memory_space<vmem>>)
      tpu.yield
    }) : () -> ()
    %dma_start3A = arith.constant 0 : i32
    %dma_start3A_3 = arith.constant 0 : i32
    %dma_start3A_4 = tpu.memref_slice %arg5[%dma_start3A, %dma_start3A_3] : memref<8x128xi32, #tpu.memory_space<vmem>> -> memref<1x128xi32, #tpu.memory_space<vmem>>
    %dma_start3A_5 = tpu.memref_squeeze %dma_start3A_4 : memref<1x128xi32, #tpu.memory_space<vmem>> -> memref<128xi32, #tpu.memory_space<vmem>>
    %dma_start3A_6 = arith.constant 0 : i32
    %dma_start3A_7 = arith.constant 0 : i32
    %dma_start3A_8 = tpu.memref_slice %arg2[%dma_start3A_6, %dma_start3A_7] : memref<253952x128xf32, #tpu.memory_space<hbm>> -> memref<253952x128xf32, #tpu.memory_space<hbm>>
    tpu.enqueue_indirect_dma source(%dma_start3A_8 : memref<253952x128xf32, #tpu.memory_space<hbm>>) target(%arg6 : memref<128x128xf32, #tpu.memory_space<vmem>>) offsets(%dma_start3A_5 : memref<128xi32, #tpu.memory_space<vmem>>) semaphore(%arg8 : memref<!tpu.dma_semaphore, #tpu.memory_space<semaphore_mem>>)
    %dma_start3A_9 = arith.constant 1 : i32
    %dma_start3A_10 = arith.constant 0 : i32
    %dma_start3A_11 = tpu.memref_slice %arg5[%dma_start3A_9, %dma_start3A_10] : memref<8x128xi32, #tpu.memory_space<vmem>> -> memref<1x128xi32, #tpu.memory_space<vmem>>
    %dma_start3A_12 = tpu.memref_squeeze %dma_start3A_11 : memref<1x128xi32, #tpu.memory_space<vmem>> -> memref<128xi32, #tpu.memory_space<vmem>>
    %dma_start3A_13 = arith.constant 0 : i32
    %dma_start3A_14 = arith.constant 0 : i32
    %dma_start3A_15 = tpu.memref_slice %arg2[%dma_start3A_13, %dma_start3A_14] : memref<253952x128xf32, #tpu.memory_space<hbm>> -> memref<253952x128xf32, #tpu.memory_space<hbm>>
    tpu.enqueue_indirect_dma source(%dma_start3A_15 : memref<253952x128xf32, #tpu.memory_space<hbm>>) target(%arg7 : memref<128x128xf32, #tpu.memory_space<vmem>>) offsets(%dma_start3A_12 : memref<128xi32, #tpu.memory_space<vmem>>) semaphore(%arg9 : memref<!tpu.dma_semaphore, #tpu.memory_space<semaphore_mem>>)
    %dma_wait3A = arith.constant 0 : i32
    %dma_wait3A_16 = arith.constant 0 : i32
    %dma_wait3A_17 = tpu.memref_slice %arg5[%dma_wait3A, %dma_wait3A_16] : memref<8x128xi32, #tpu.memory_space<vmem>> -> memref<1x128xi32, #tpu.memory_space<vmem>>
    %dma_wait3A_18 = tpu.memref_squeeze %dma_wait3A_17 : memref<1x128xi32, #tpu.memory_space<vmem>> -> memref<128xi32, #tpu.memory_space<vmem>>
    %dma_wait3A_19 = arith.constant 0 : i32
    %dma_wait3A_20 = arith.constant 0 : i32
    %dma_wait3A_21 = tpu.memref_slice %arg2[%dma_wait3A_19, %dma_wait3A_20] : memref<253952x128xf32, #tpu.memory_space<hbm>> -> memref<253952x128xf32, #tpu.memory_space<hbm>>
    tpu.wait_indirect_dma semaphore(%arg8 : memref<!tpu.dma_semaphore, #tpu.memory_space<semaphore_mem>>) src(%dma_wait3A_21 : memref<253952x128xf32, #tpu.memory_space<hbm>>) dst(%arg6 : memref<128x128xf32, #tpu.memory_space<vmem>>)
    %add3A_22 = arith.constant 0 : i32
    %add3A_23 = arith.addi %mul3A_2, %add3A_22 : i32
    "tpu.region"() ({
      %run_scoped3A = tpu.sem_alloc : memref<!tpu.dma_semaphore, #tpu.memory_space<semaphore_mem>>
      %dma_start3A_129 = arith.constant 0 : i32
      %dma_start3A_130 = tpu.memref_slice %arg4[%add3A_23, %dma_start3A_129] : memref<32768x128xf32, #tpu.memory_space<hbm>> -> memref<128x128xf32, #tpu.memory_space<hbm>>
      %dma_start3A_131 = arith.constant 0 : i32
      %dma_start3A_132 = tpu.memref_slice %arg4[%add3A_23, %dma_start3A_131] : memref<32768x128xf32, #tpu.memory_space<hbm>> -> memref<128x128xf32, #tpu.memory_space<hbm>>
      tpu.enqueue_dma source(%arg6 : memref<128x128xf32, #tpu.memory_space<vmem>>) target(%dma_start3A_132 : memref<128x128xf32, #tpu.memory_space<hbm>>) target_semaphore(%run_scoped3A : memref<!tpu.dma_semaphore, #tpu.memory_space<semaphore_mem>>)
      %dma_wait3A_133 = arith.constant 0 : i32
      %dma_wait3A_134 = tpu.memref_slice %arg4[%add3A_23, %dma_wait3A_133] : memref<32768x128xf32, #tpu.memory_space<hbm>> -> memref<128x128xf32, #tpu.memory_space<hbm>>
      %dma_wait3A_135 = arith.constant 0 : i32
      %dma_wait3A_136 = tpu.memref_slice %arg4[%add3A_23, %dma_wait3A_135] : memref<32768x128xf32, #tpu.memory_space<hbm>> -> memref<128x128xf32, #tpu.memory_space<hbm>>
      tpu.wait_dma2 semaphore(%run_scoped3A : memref<!tpu.dma_semaphore, #tpu.memory_space<semaphore_mem>>) src(%arg6 : memref<128x128xf32, #tpu.memory_space<vmem>>) dst(%dma_wait3A_136 : memref<128x128xf32, #tpu.memory_space<hbm>>)
      tpu.yield
    }) : () -> ()
    %dma_start3A_24 = arith.constant 2 : i32
    %dma_start3A_25 = arith.constant 0 : i32
    %dma_start3A_26 = tpu.memref_slice %arg5[%dma_start3A_24, %dma_start3A_25] : memref<8x128xi32, #tpu.memory_space<vmem>> -> memref<1x128xi32, #tpu.memory_space<vmem>>
    %dma_start3A_27 = tpu.memref_squeeze %dma_start3A_26 : memref<1x128xi32, #tpu.memory_space<vmem>> -> memref<128xi32, #tpu.memory_space<vmem>>
    %dma_start3A_28 = arith.constant 0 : i32
    %dma_start3A_29 = arith.constant 0 : i32
    %dma_start3A_30 = tpu.memref_slice %arg2[%dma_start3A_28, %dma_start3A_29] : memref<253952x128xf32, #tpu.memory_space<hbm>> -> memref<253952x128xf32, #tpu.memory_space<hbm>>
    tpu.enqueue_indirect_dma source(%dma_start3A_30 : memref<253952x128xf32, #tpu.memory_space<hbm>>) target(%arg6 : memref<128x128xf32, #tpu.memory_space<vmem>>) offsets(%dma_start3A_27 : memref<128xi32, #tpu.memory_space<vmem>>) semaphore(%arg8 : memref<!tpu.dma_semaphore, #tpu.memory_space<semaphore_mem>>)
    %dma_wait3A_31 = arith.constant 1 : i32
    %dma_wait3A_32 = arith.constant 0 : i32
    %dma_wait3A_33 = tpu.memref_slice %arg5[%dma_wait3A_31, %dma_wait3A_32] : memref<8x128xi32, #tpu.memory_space<vmem>> -> memref<1x128xi32, #tpu.memory_space<vmem>>
    %dma_wait3A_34 = tpu.memref_squeeze %dma_wait3A_33 : memref<1x128xi32, #tpu.memory_space<vmem>> -> memref<128xi32, #tpu.memory_space<vmem>>
    %dma_wait3A_35 = arith.constant 0 : i32
    %dma_wait3A_36 = arith.constant 0 : i32
    %dma_wait3A_37 = tpu.memref_slice %arg2[%dma_wait3A_35, %dma_wait3A_36] : memref<253952x128xf32, #tpu.memory_space<hbm>> -> memref<253952x128xf32, #tpu.memory_space<hbm>>
    tpu.wait_indirect_dma semaphore(%arg9 : memref<!tpu.dma_semaphore, #tpu.memory_space<semaphore_mem>>) src(%dma_wait3A_37 : memref<253952x128xf32, #tpu.memory_space<hbm>>) dst(%arg7 : memref<128x128xf32, #tpu.memory_space<vmem>>)
    %add3A_38 = arith.constant 128 : i32
    %add3A_39 = arith.addi %mul3A_2, %add3A_38 : i32
    "tpu.region"() ({
      %run_scoped3A = tpu.sem_alloc : memref<!tpu.dma_semaphore, #tpu.memory_space<semaphore_mem>>
      %dma_start3A_129 = arith.constant 0 : i32
      %dma_start3A_130 = tpu.memref_slice %arg4[%add3A_39, %dma_start3A_129] : memref<32768x128xf32, #tpu.memory_space<hbm>> -> memref<128x128xf32, #tpu.memory_space<hbm>>
      %dma_start3A_131 = arith.constant 0 : i32
      %dma_start3A_132 = tpu.memref_slice %arg4[%add3A_39, %dma_start3A_131] : memref<32768x128xf32, #tpu.memory_space<hbm>> -> memref<128x128xf32, #tpu.memory_space<hbm>>
      tpu.enqueue_dma source(%arg7 : memref<128x128xf32, #tpu.memory_space<vmem>>) target(%dma_start3A_132 : memref<128x128xf32, #tpu.memory_space<hbm>>) target_semaphore(%run_scoped3A : memref<!tpu.dma_semaphore, #tpu.memory_space<semaphore_mem>>)
      %dma_wait3A_133 = arith.constant 0 : i32
      %dma_wait3A_134 = tpu.memref_slice %arg4[%add3A_39, %dma_wait3A_133] : memref<32768x128xf32, #tpu.memory_space<hbm>> -> memref<128x128xf32, #tpu.memory_space<hbm>>
      %dma_wait3A_135 = arith.constant 0 : i32
      %dma_wait3A_136 = tpu.memref_slice %arg4[%add3A_39, %dma_wait3A_135] : memref<32768x128xf32, #tpu.memory_space<hbm>> -> memref<128x128xf32, #tpu.memory_space<hbm>>
      tpu.wait_dma2 semaphore(%run_scoped3A : memref<!tpu.dma_semaphore, #tpu.memory_space<semaphore_mem>>) src(%arg7 : memref<128x128xf32, #tpu.memory_space<vmem>>) dst(%dma_wait3A_136 : memref<128x128xf32, #tpu.memory_space<hbm>>)
      tpu.yield
    }) : () -> ()
    %dma_start3A_40 = arith.constant 3 : i32
    %dma_start3A_41 = arith.constant 0 : i32
    %dma_start3A_42 = tpu.memref_slice %arg5[%dma_start3A_40, %dma_start3A_41] : memref<8x128xi32, #tpu.memory_space<vmem>> -> memref<1x128xi32, #tpu.memory_space<vmem>>
    %dma_start3A_43 = tpu.memref_squeeze %dma_start3A_42 : memref<1x128xi32, #tpu.memory_space<vmem>> -> memref<128xi32, #tpu.memory_space<vmem>>
    %dma_start3A_44 = arith.constant 0 : i32
    %dma_start3A_45 = arith.constant 0 : i32
    %dma_start3A_46 = tpu.memref_slice %arg2[%dma_start3A_44, %dma_start3A_45] : memref<253952x128xf32, #tpu.memory_space<hbm>> -> memref<253952x128xf32, #tpu.memory_space<hbm>>
    tpu.enqueue_indirect_dma source(%dma_start3A_46 : memref<253952x128xf32, #tpu.memory_space<hbm>>) target(%arg7 : memref<128x128xf32, #tpu.memory_space<vmem>>) offsets(%dma_start3A_43 : memref<128xi32, #tpu.memory_space<vmem>>) semaphore(%arg9 : memref<!tpu.dma_semaphore, #tpu.memory_space<semaphore_mem>>)
    %dma_wait3A_47 = arith.constant 2 : i32
    %dma_wait3A_48 = arith.constant 0 : i32
    %dma_wait3A_49 = tpu.memref_slice %arg5[%dma_wait3A_47, %dma_wait3A_48] : memref<8x128xi32, #tpu.memory_space<vmem>> -> memref<1x128xi32, #tpu.memory_space<vmem>>
    %dma_wait3A_50 = tpu.memref_squeeze %dma_wait3A_49 : memref<1x128xi32, #tpu.memory_space<vmem>> -> memref<128xi32, #tpu.memory_space<vmem>>
    %dma_wait3A_51 = arith.constant 0 : i32
    %dma_wait3A_52 = arith.constant 0 : i32
    %dma_wait3A_53 = tpu.memref_slice %arg2[%dma_wait3A_51, %dma_wait3A_52] : memref<253952x128xf32, #tpu.memory_space<hbm>> -> memref<253952x128xf32, #tpu.memory_space<hbm>>
    tpu.wait_indirect_dma semaphore(%arg8 : memref<!tpu.dma_semaphore, #tpu.memory_space<semaphore_mem>>) src(%dma_wait3A_53 : memref<253952x128xf32, #tpu.memory_space<hbm>>) dst(%arg6 : memref<128x128xf32, #tpu.memory_space<vmem>>)
    %add3A_54 = arith.constant 256 : i32
    %add3A_55 = arith.addi %mul3A_2, %add3A_54 : i32
    "tpu.region"() ({
      %run_scoped3A = tpu.sem_alloc : memref<!tpu.dma_semaphore, #tpu.memory_space<semaphore_mem>>
      %dma_start3A_129 = arith.constant 0 : i32
      %dma_start3A_130 = tpu.memref_slice %arg4[%add3A_55, %dma_start3A_129] : memref<32768x128xf32, #tpu.memory_space<hbm>> -> memref<128x128xf32, #tpu.memory_space<hbm>>
      %dma_start3A_131 = arith.constant 0 : i32
      %dma_start3A_132 = tpu.memref_slice %arg4[%add3A_55, %dma_start3A_131] : memref<32768x128xf32, #tpu.memory_space<hbm>> -> memref<128x128xf32, #tpu.memory_space<hbm>>
      tpu.enqueue_dma source(%arg6 : memref<128x128xf32, #tpu.memory_space<vmem>>) target(%dma_start3A_132 : memref<128x128xf32, #tpu.memory_space<hbm>>) target_semaphore(%run_scoped3A : memref<!tpu.dma_semaphore, #tpu.memory_space<semaphore_mem>>)
      %dma_wait3A_133 = arith.constant 0 : i32
      %dma_wait3A_134 = tpu.memref_slice %arg4[%add3A_55, %dma_wait3A_133] : memref<32768x128xf32, #tpu.memory_space<hbm>> -> memref<128x128xf32, #tpu.memory_space<hbm>>
      %dma_wait3A_135 = arith.constant 0 : i32
      %dma_wait3A_136 = tpu.memref_slice %arg4[%add3A_55, %dma_wait3A_135] : memref<32768x128xf32, #tpu.memory_space<hbm>> -> memref<128x128xf32, #tpu.memory_space<hbm>>
      tpu.wait_dma2 semaphore(%run_scoped3A : memref<!tpu.dma_semaphore, #tpu.memory_space<semaphore_mem>>) src(%arg6 : memref<128x128xf32, #tpu.memory_space<vmem>>) dst(%dma_wait3A_136 : memref<128x128xf32, #tpu.memory_space<hbm>>)
      tpu.yield
    }) : () -> ()
    %dma_start3A_56 = arith.constant 4 : i32
    %dma_start3A_57 = arith.constant 0 : i32
    %dma_start3A_58 = tpu.memref_slice %arg5[%dma_start3A_56, %dma_start3A_57] : memref<8x128xi32, #tpu.memory_space<vmem>> -> memref<1x128xi32, #tpu.memory_space<vmem>>
    %dma_start3A_59 = tpu.memref_squeeze %dma_start3A_58 : memref<1x128xi32, #tpu.memory_space<vmem>> -> memref<128xi32, #tpu.memory_space<vmem>>
    %dma_start3A_60 = arith.constant 0 : i32
    %dma_start3A_61 = arith.constant 0 : i32
    %dma_start3A_62 = tpu.memref_slice %arg2[%dma_start3A_60, %dma_start3A_61] : memref<253952x128xf32, #tpu.memory_space<hbm>> -> memref<253952x128xf32, #tpu.memory_space<hbm>>
    tpu.enqueue_indirect_dma source(%dma_start3A_62 : memref<253952x128xf32, #tpu.memory_space<hbm>>) target(%arg6 : memref<128x128xf32, #tpu.memory_space<vmem>>) offsets(%dma_start3A_59 : memref<128xi32, #tpu.memory_space<vmem>>) semaphore(%arg8 : memref<!tpu.dma_semaphore, #tpu.memory_space<semaphore_mem>>)
    %dma_wait3A_63 = arith.constant 3 : i32
    %dma_wait3A_64 = arith.constant 0 : i32
    %dma_wait3A_65 = tpu.memref_slice %arg5[%dma_wait3A_63, %dma_wait3A_64] : memref<8x128xi32, #tpu.memory_space<vmem>> -> memref<1x128xi32, #tpu.memory_space<vmem>>
    %dma_wait3A_66 = tpu.memref_squeeze %dma_wait3A_65 : memref<1x128xi32, #tpu.memory_space<vmem>> -> memref<128xi32, #tpu.memory_space<vmem>>
    %dma_wait3A_67 = arith.constant 0 : i32
    %dma_wait3A_68 = arith.constant 0 : i32
    %dma_wait3A_69 = tpu.memref_slice %arg2[%dma_wait3A_67, %dma_wait3A_68] : memref<253952x128xf32, #tpu.memory_space<hbm>> -> memref<253952x128xf32, #tpu.memory_space<hbm>>
    tpu.wait_indirect_dma semaphore(%arg9 : memref<!tpu.dma_semaphore, #tpu.memory_space<semaphore_mem>>) src(%dma_wait3A_69 : memref<253952x128xf32, #tpu.memory_space<hbm>>) dst(%arg7 : memref<128x128xf32, #tpu.memory_space<vmem>>)
    %add3A_70 = arith.constant 384 : i32
    %add3A_71 = arith.addi %mul3A_2, %add3A_70 : i32
    "tpu.region"() ({
      %run_scoped3A = tpu.sem_alloc : memref<!tpu.dma_semaphore, #tpu.memory_space<semaphore_mem>>
      %dma_start3A_129 = arith.constant 0 : i32
      %dma_start3A_130 = tpu.memref_slice %arg4[%add3A_71, %dma_start3A_129] : memref<32768x128xf32, #tpu.memory_space<hbm>> -> memref<128x128xf32, #tpu.memory_space<hbm>>
      %dma_start3A_131 = arith.constant 0 : i32
      %dma_start3A_132 = tpu.memref_slice %arg4[%add3A_71, %dma_start3A_131] : memref<32768x128xf32, #tpu.memory_space<hbm>> -> memref<128x128xf32, #tpu.memory_space<hbm>>
      tpu.enqueue_dma source(%arg7 : memref<128x128xf32, #tpu.memory_space<vmem>>) target(%dma_start3A_132 : memref<128x128xf32, #tpu.memory_space<hbm>>) target_semaphore(%run_scoped3A : memref<!tpu.dma_semaphore, #tpu.memory_space<semaphore_mem>>)
      %dma_wait3A_133 = arith.constant 0 : i32
      %dma_wait3A_134 = tpu.memref_slice %arg4[%add3A_71, %dma_wait3A_133] : memref<32768x128xf32, #tpu.memory_space<hbm>> -> memref<128x128xf32, #tpu.memory_space<hbm>>
      %dma_wait3A_135 = arith.constant 0 : i32
      %dma_wait3A_136 = tpu.memref_slice %arg4[%add3A_71, %dma_wait3A_135] : memref<32768x128xf32, #tpu.memory_space<hbm>> -> memref<128x128xf32, #tpu.memory_space<hbm>>
      tpu.wait_dma2 semaphore(%run_scoped3A : memref<!tpu.dma_semaphore, #tpu.memory_space<semaphore_mem>>) src(%arg7 : memref<128x128xf32, #tpu.memory_space<vmem>>) dst(%dma_wait3A_136 : memref<128x128xf32, #tpu.memory_space<hbm>>)
      tpu.yield
    }) : () -> ()
    %dma_start3A_72 = arith.constant 5 : i32
    %dma_start3A_73 = arith.constant 0 : i32
    %dma_start3A_74 = tpu.memref_slice %arg5[%dma_start3A_72, %dma_start3A_73] : memref<8x128xi32, #tpu.memory_space<vmem>> -> memref<1x128xi32, #tpu.memory_space<vmem>>
    %dma_start3A_75 = tpu.memref_squeeze %dma_start3A_74 : memref<1x128xi32, #tpu.memory_space<vmem>> -> memref<128xi32, #tpu.memory_space<vmem>>
    %dma_start3A_76 = arith.constant 0 : i32
    %dma_start3A_77 = arith.constant 0 : i32
    %dma_start3A_78 = tpu.memref_slice %arg2[%dma_start3A_76, %dma_start3A_77] : memref<253952x128xf32, #tpu.memory_space<hbm>> -> memref<253952x128xf32, #tpu.memory_space<hbm>>
    tpu.enqueue_indirect_dma source(%dma_start3A_78 : memref<253952x128xf32, #tpu.memory_space<hbm>>) target(%arg7 : memref<128x128xf32, #tpu.memory_space<vmem>>) offsets(%dma_start3A_75 : memref<128xi32, #tpu.memory_space<vmem>>) semaphore(%arg9 : memref<!tpu.dma_semaphore, #tpu.memory_space<semaphore_mem>>)
    %dma_wait3A_79 = arith.constant 4 : i32
    %dma_wait3A_80 = arith.constant 0 : i32
    %dma_wait3A_81 = tpu.memref_slice %arg5[%dma_wait3A_79, %dma_wait3A_80] : memref<8x128xi32, #tpu.memory_space<vmem>> -> memref<1x128xi32, #tpu.memory_space<vmem>>
    %dma_wait3A_82 = tpu.memref_squeeze %dma_wait3A_81 : memref<1x128xi32, #tpu.memory_space<vmem>> -> memref<128xi32, #tpu.memory_space<vmem>>
    %dma_wait3A_83 = arith.constant 0 : i32
    %dma_wait3A_84 = arith.constant 0 : i32
    %dma_wait3A_85 = tpu.memref_slice %arg2[%dma_wait3A_83, %dma_wait3A_84] : memref<253952x128xf32, #tpu.memory_space<hbm>> -> memref<253952x128xf32, #tpu.memory_space<hbm>>
    tpu.wait_indirect_dma semaphore(%arg8 : memref<!tpu.dma_semaphore, #tpu.memory_space<semaphore_mem>>) src(%dma_wait3A_85 : memref<253952x128xf32, #tpu.memory_space<hbm>>) dst(%arg6 : memref<128x128xf32, #tpu.memory_space<vmem>>)
    %add3A_86 = arith.constant 512 : i32
    %add3A_87 = arith.addi %mul3A_2, %add3A_86 : i32
    "tpu.region"() ({
      %run_scoped3A = tpu.sem_alloc : memref<!tpu.dma_semaphore, #tpu.memory_space<semaphore_mem>>
      %dma_start3A_129 = arith.constant 0 : i32
      %dma_start3A_130 = tpu.memref_slice %arg4[%add3A_87, %dma_start3A_129] : memref<32768x128xf32, #tpu.memory_space<hbm>> -> memref<128x128xf32, #tpu.memory_space<hbm>>
      %dma_start3A_131 = arith.constant 0 : i32
      %dma_start3A_132 = tpu.memref_slice %arg4[%add3A_87, %dma_start3A_131] : memref<32768x128xf32, #tpu.memory_space<hbm>> -> memref<128x128xf32, #tpu.memory_space<hbm>>
      tpu.enqueue_dma source(%arg6 : memref<128x128xf32, #tpu.memory_space<vmem>>) target(%dma_start3A_132 : memref<128x128xf32, #tpu.memory_space<hbm>>) target_semaphore(%run_scoped3A : memref<!tpu.dma_semaphore, #tpu.memory_space<semaphore_mem>>)
      %dma_wait3A_133 = arith.constant 0 : i32
      %dma_wait3A_134 = tpu.memref_slice %arg4[%add3A_87, %dma_wait3A_133] : memref<32768x128xf32, #tpu.memory_space<hbm>> -> memref<128x128xf32, #tpu.memory_space<hbm>>
      %dma_wait3A_135 = arith.constant 0 : i32
      %dma_wait3A_136 = tpu.memref_slice %arg4[%add3A_87, %dma_wait3A_135] : memref<32768x128xf32, #tpu.memory_space<hbm>> -> memref<128x128xf32, #tpu.memory_space<hbm>>
      tpu.wait_dma2 semaphore(%run_scoped3A : memref<!tpu.dma_semaphore, #tpu.memory_space<semaphore_mem>>) src(%arg6 : memref<128x128xf32, #tpu.memory_space<vmem>>) dst(%dma_wait3A_136 : memref<128x128xf32, #tpu.memory_space<hbm>>)
      tpu.yield
    }) : () -> ()
    %dma_start3A_88 = arith.constant 6 : i32
    %dma_start3A_89 = arith.constant 0 : i32
    %dma_start3A_90 = tpu.memref_slice %arg5[%dma_start3A_88, %dma_start3A_89] : memref<8x128xi32, #tpu.memory_space<vmem>> -> memref<1x128xi32, #tpu.memory_space<vmem>>
    %dma_start3A_91 = tpu.memref_squeeze %dma_start3A_90 : memref<1x128xi32, #tpu.memory_space<vmem>> -> memref<128xi32, #tpu.memory_space<vmem>>
    %dma_start3A_92 = arith.constant 0 : i32
    %dma_start3A_93 = arith.constant 0 : i32
    %dma_start3A_94 = tpu.memref_slice %arg2[%dma_start3A_92, %dma_start3A_93] : memref<253952x128xf32, #tpu.memory_space<hbm>> -> memref<253952x128xf32, #tpu.memory_space<hbm>>
    tpu.enqueue_indirect_dma source(%dma_start3A_94 : memref<253952x128xf32, #tpu.memory_space<hbm>>) target(%arg6 : memref<128x128xf32, #tpu.memory_space<vmem>>) offsets(%dma_start3A_91 : memref<128xi32, #tpu.memory_space<vmem>>) semaphore(%arg8 : memref<!tpu.dma_semaphore, #tpu.memory_space<semaphore_mem>>)
    %dma_wait3A_95 = arith.constant 5 : i32
    %dma_wait3A_96 = arith.constant 0 : i32
    %dma_wait3A_97 = tpu.memref_slice %arg5[%dma_wait3A_95, %dma_wait3A_96] : memref<8x128xi32, #tpu.memory_space<vmem>> -> memref<1x128xi32, #tpu.memory_space<vmem>>
    %dma_wait3A_98 = tpu.memref_squeeze %dma_wait3A_97 : memref<1x128xi32, #tpu.memory_space<vmem>> -> memref<128xi32, #tpu.memory_space<vmem>>
    %dma_wait3A_99 = arith.constant 0 : i32
    %dma_wait3A_100 = arith.constant 0 : i32
    %dma_wait3A_101 = tpu.memref_slice %arg2[%dma_wait3A_99, %dma_wait3A_100] : memref<253952x128xf32, #tpu.memory_space<hbm>> -> memref<253952x128xf32, #tpu.memory_space<hbm>>
    tpu.wait_indirect_dma semaphore(%arg9 : memref<!tpu.dma_semaphore, #tpu.memory_space<semaphore_mem>>) src(%dma_wait3A_101 : memref<253952x128xf32, #tpu.memory_space<hbm>>) dst(%arg7 : memref<128x128xf32, #tpu.memory_space<vmem>>)
    %add3A_102 = arith.constant 640 : i32
    %add3A_103 = arith.addi %mul3A_2, %add3A_102 : i32
    "tpu.region"() ({
      %run_scoped3A = tpu.sem_alloc : memref<!tpu.dma_semaphore, #tpu.memory_space<semaphore_mem>>
      %dma_start3A_129 = arith.constant 0 : i32
      %dma_start3A_130 = tpu.memref_slice %arg4[%add3A_103, %dma_start3A_129] : memref<32768x128xf32, #tpu.memory_space<hbm>> -> memref<128x128xf32, #tpu.memory_space<hbm>>
      %dma_start3A_131 = arith.constant 0 : i32
      %dma_start3A_132 = tpu.memref_slice %arg4[%add3A_103, %dma_start3A_131] : memref<32768x128xf32, #tpu.memory_space<hbm>> -> memref<128x128xf32, #tpu.memory_space<hbm>>
      tpu.enqueue_dma source(%arg7 : memref<128x128xf32, #tpu.memory_space<vmem>>) target(%dma_start3A_132 : memref<128x128xf32, #tpu.memory_space<hbm>>) target_semaphore(%run_scoped3A : memref<!tpu.dma_semaphore, #tpu.memory_space<semaphore_mem>>)
      %dma_wait3A_133 = arith.constant 0 : i32
      %dma_wait3A_134 = tpu.memref_slice %arg4[%add3A_103, %dma_wait3A_133] : memref<32768x128xf32, #tpu.memory_space<hbm>> -> memref<128x128xf32, #tpu.memory_space<hbm>>
      %dma_wait3A_135 = arith.constant 0 : i32
      %dma_wait3A_136 = tpu.memref_slice %arg4[%add3A_103, %dma_wait3A_135] : memref<32768x128xf32, #tpu.memory_space<hbm>> -> memref<128x128xf32, #tpu.memory_space<hbm>>
      tpu.wait_dma2 semaphore(%run_scoped3A : memref<!tpu.dma_semaphore, #tpu.memory_space<semaphore_mem>>) src(%arg7 : memref<128x128xf32, #tpu.memory_space<vmem>>) dst(%dma_wait3A_136 : memref<128x128xf32, #tpu.memory_space<hbm>>)
      tpu.yield
    }) : () -> ()
    %dma_start3A_104 = arith.constant 7 : i32
    %dma_start3A_105 = arith.constant 0 : i32
    %dma_start3A_106 = tpu.memref_slice %arg5[%dma_start3A_104, %dma_start3A_105] : memref<8x128xi32, #tpu.memory_space<vmem>> -> memref<1x128xi32, #tpu.memory_space<vmem>>
    %dma_start3A_107 = tpu.memref_squeeze %dma_start3A_106 : memref<1x128xi32, #tpu.memory_space<vmem>> -> memref<128xi32, #tpu.memory_space<vmem>>
    %dma_start3A_108 = arith.constant 0 : i32
    %dma_start3A_109 = arith.constant 0 : i32
    %dma_start3A_110 = tpu.memref_slice %arg2[%dma_start3A_108, %dma_start3A_109] : memref<253952x128xf32, #tpu.memory_space<hbm>> -> memref<253952x128xf32, #tpu.memory_space<hbm>>
    tpu.enqueue_indirect_dma source(%dma_start3A_110 : memref<253952x128xf32, #tpu.memory_space<hbm>>) target(%arg7 : memref<128x128xf32, #tpu.memory_space<vmem>>) offsets(%dma_start3A_107 : memref<128xi32, #tpu.memory_space<vmem>>) semaphore(%arg9 : memref<!tpu.dma_semaphore, #tpu.memory_space<semaphore_mem>>)
    %dma_wait3A_111 = arith.constant 6 : i32
    %dma_wait3A_112 = arith.constant 0 : i32
    %dma_wait3A_113 = tpu.memref_slice %arg5[%dma_wait3A_111, %dma_wait3A_112] : memref<8x128xi32, #tpu.memory_space<vmem>> -> memref<1x128xi32, #tpu.memory_space<vmem>>
    %dma_wait3A_114 = tpu.memref_squeeze %dma_wait3A_113 : memref<1x128xi32, #tpu.memory_space<vmem>> -> memref<128xi32, #tpu.memory_space<vmem>>
    %dma_wait3A_115 = arith.constant 0 : i32
    %dma_wait3A_116 = arith.constant 0 : i32
    %dma_wait3A_117 = tpu.memref_slice %arg2[%dma_wait3A_115, %dma_wait3A_116] : memref<253952x128xf32, #tpu.memory_space<hbm>> -> memref<253952x128xf32, #tpu.memory_space<hbm>>
    tpu.wait_indirect_dma semaphore(%arg8 : memref<!tpu.dma_semaphore, #tpu.memory_space<semaphore_mem>>) src(%dma_wait3A_117 : memref<253952x128xf32, #tpu.memory_space<hbm>>) dst(%arg6 : memref<128x128xf32, #tpu.memory_space<vmem>>)
    %add3A_118 = arith.constant 768 : i32
    %add3A_119 = arith.addi %mul3A_2, %add3A_118 : i32
    "tpu.region"() ({
      %run_scoped3A = tpu.sem_alloc : memref<!tpu.dma_semaphore, #tpu.memory_space<semaphore_mem>>
      %dma_start3A_129 = arith.constant 0 : i32
      %dma_start3A_130 = tpu.memref_slice %arg4[%add3A_119, %dma_start3A_129] : memref<32768x128xf32, #tpu.memory_space<hbm>> -> memref<128x128xf32, #tpu.memory_space<hbm>>
      %dma_start3A_131 = arith.constant 0 : i32
      %dma_start3A_132 = tpu.memref_slice %arg4[%add3A_119, %dma_start3A_131] : memref<32768x128xf32, #tpu.memory_space<hbm>> -> memref<128x128xf32, #tpu.memory_space<hbm>>
      tpu.enqueue_dma source(%arg6 : memref<128x128xf32, #tpu.memory_space<vmem>>) target(%dma_start3A_132 : memref<128x128xf32, #tpu.memory_space<hbm>>) target_semaphore(%run_scoped3A : memref<!tpu.dma_semaphore, #tpu.memory_space<semaphore_mem>>)
      %dma_wait3A_133 = arith.constant 0 : i32
      %dma_wait3A_134 = tpu.memref_slice %arg4[%add3A_119, %dma_wait3A_133] : memref<32768x128xf32, #tpu.memory_space<hbm>> -> memref<128x128xf32, #tpu.memory_space<hbm>>
      %dma_wait3A_135 = arith.constant 0 : i32
      %dma_wait3A_136 = tpu.memref_slice %arg4[%add3A_119, %dma_wait3A_135] : memref<32768x128xf32, #tpu.memory_space<hbm>> -> memref<128x128xf32, #tpu.memory_space<hbm>>
      tpu.wait_dma2 semaphore(%run_scoped3A : memref<!tpu.dma_semaphore, #tpu.memory_space<semaphore_mem>>) src(%arg6 : memref<128x128xf32, #tpu.memory_space<vmem>>) dst(%dma_wait3A_136 : memref<128x128xf32, #tpu.memory_space<hbm>>)
      tpu.yield
    }) : () -> ()
    %dma_wait3A_120 = arith.constant 7 : i32
    %dma_wait3A_121 = arith.constant 0 : i32
    %dma_wait3A_122 = tpu.memref_slice %arg5[%dma_wait3A_120, %dma_wait3A_121] : memref<8x128xi32, #tpu.memory_space<vmem>> -> memref<1x128xi32, #tpu.memory_space<vmem>>
    %dma_wait3A_123 = tpu.memref_squeeze %dma_wait3A_122 : memref<1x128xi32, #tpu.memory_space<vmem>> -> memref<128xi32, #tpu.memory_space<vmem>>
    %dma_wait3A_124 = arith.constant 0 : i32
    %dma_wait3A_125 = arith.constant 0 : i32
    %dma_wait3A_126 = tpu.memref_slice %arg2[%dma_wait3A_124, %dma_wait3A_125] : memref<253952x128xf32, #tpu.memory_space<hbm>> -> memref<253952x128xf32, #tpu.memory_space<hbm>>
    tpu.wait_indirect_dma semaphore(%arg9 : memref<!tpu.dma_semaphore, #tpu.memory_space<semaphore_mem>>) src(%dma_wait3A_126 : memref<253952x128xf32, #tpu.memory_space<hbm>>) dst(%arg7 : memref<128x128xf32, #tpu.memory_space<vmem>>)
    %add3A_127 = arith.constant 896 : i32
    %add3A_128 = arith.addi %mul3A_2, %add3A_127 : i32
    "tpu.region"() ({
      %run_scoped3A = tpu.sem_alloc : memref<!tpu.dma_semaphore, #tpu.memory_space<semaphore_mem>>
      %dma_start3A_129 = arith.constant 0 : i32
      %dma_start3A_130 = tpu.memref_slice %arg4[%add3A_128, %dma_start3A_129] : memref<32768x128xf32, #tpu.memory_space<hbm>> -> memref<128x128xf32, #tpu.memory_space<hbm>>
      %dma_start3A_131 = arith.constant 0 : i32
      %dma_start3A_132 = tpu.memref_slice %arg4[%add3A_128, %dma_start3A_131] : memref<32768x128xf32, #tpu.memory_space<hbm>> -> memref<128x128xf32, #tpu.memory_space<hbm>>
      tpu.enqueue_dma source(%arg7 : memref<128x128xf32, #tpu.memory_space<vmem>>) target(%dma_start3A_132 : memref<128x128xf32, #tpu.memory_space<hbm>>) target_semaphore(%run_scoped3A : memref<!tpu.dma_semaphore, #tpu.memory_space<semaphore_mem>>)
      %dma_wait3A_133 = arith.constant 0 : i32
      %dma_wait3A_134 = tpu.memref_slice %arg4[%add3A_128, %dma_wait3A_133] : memref<32768x128xf32, #tpu.memory_space<hbm>> -> memref<128x128xf32, #tpu.memory_space<hbm>>
      %dma_wait3A_135 = arith.constant 0 : i32
      %dma_wait3A_136 = tpu.memref_slice %arg4[%add3A_128, %dma_wait3A_135] : memref<32768x128xf32, #tpu.memory_space<hbm>> -> memref<128x128xf32, #tpu.memory_space<hbm>>
      tpu.wait_dma2 semaphore(%run_scoped3A : memref<!tpu.dma_semaphore, #tpu.memory_space<semaphore_mem>>) src(%arg7 : memref<128x128xf32, #tpu.memory_space<vmem>>) dst(%dma_wait3A_136 : memref<128x128xf32, #tpu.memory_space<hbm>>)
      tpu.yield
    }) : () -> ()
    return
  }
}

module attributes {stable_mosaic.version = 14 : i64} {
  func.func @body(%arg0: i32, %arg1: memref<64x32768xf32, #tpu.memory_space<vmem>>, %arg2: memref<64x64xf32, #tpu.memory_space<vmem>>, %arg3: memref<8192x128xf32, #tpu.memory_space<vmem>>) attributes {dimension_semantics = [#tpu.dimension_semantics<arbitrary>], iteration_bounds = array<i64: 31>, scalar_prefetch = 0 : i64, scratch_operands = 0 : i64, tpu.core_type = #tpu.core_type<tc>, window_params = [{transform_indices = @transform_0, window_bounds = array<i64: 64, 32768>}, {pipeline_mode = #tpu.pipeline_mode<synchronous>, transform_indices = @transform_1, window_bounds = array<i64: 64, 64>}, {transform_indices = @transform_2, window_bounds = array<i64: 8192, 128>}]} {
    %get3A = arith.constant 0 : index
    %get3A_0 = arith.constant 0 : index
    %get3A_1 = vector.load %arg1[%get3A, %get3A_0] : memref<64x32768xf32, #tpu.memory_space<vmem>>, vector<64x32768xf32>
    %get3A_2 = arith.constant 0 : index
    %get3A_3 = arith.constant 0 : index
    %get3A_4 = vector.load %arg2[%get3A_2, %get3A_3] : memref<64x64xf32, #tpu.memory_space<vmem>>, vector<64x64xf32>
    %slice3A = vector.extract_strided_slice %get3A_1 {offsets = [0, 0], sizes = [64, 1024], strides = [1, 1]} : vector<64x32768xf32> to vector<64x1024xf32>
    %dot_general3A = arith.constant dense<0.000000e+00> : vector<1024x64xf32>
    %dot_general3A_5 = tpu.matmul %slice3A, %get3A_4, %dot_general3A {dimension_numbers = #tpu.dot_dimension_numbers<[0], [0], [1], [1], [0, 1, 1, 1], [], []>, transpose_lhs_hint = true} : vector<64x1024xf32>, vector<64x64xf32>, vector<1024x64xf32> -> vector<1024x64xf32>
    %slice3A_6 = vector.extract_strided_slice %get3A_1 {offsets = [0, 1024], sizes = [64, 1024], strides = [1, 1]} : vector<64x32768xf32> to vector<64x1024xf32>
    %dot_general3A_7 = arith.constant dense<0.000000e+00> : vector<1024x64xf32>
    %dot_general3A_8 = tpu.matmul %slice3A_6, %get3A_4, %dot_general3A_7 {dimension_numbers = #tpu.dot_dimension_numbers<[0], [0], [1], [1], [0, 1, 1, 1], [], []>, transpose_lhs_hint = true} : vector<64x1024xf32>, vector<64x64xf32>, vector<1024x64xf32> -> vector<1024x64xf32>
    %slice3A_9 = vector.extract_strided_slice %get3A_1 {offsets = [0, 2048], sizes = [64, 1024], strides = [1, 1]} : vector<64x32768xf32> to vector<64x1024xf32>
    %dot_general3A_10 = arith.constant dense<0.000000e+00> : vector<1024x64xf32>
    %dot_general3A_11 = tpu.matmul %slice3A_9, %get3A_4, %dot_general3A_10 {dimension_numbers = #tpu.dot_dimension_numbers<[0], [0], [1], [1], [0, 1, 1, 1], [], []>, transpose_lhs_hint = true} : vector<64x1024xf32>, vector<64x64xf32>, vector<1024x64xf32> -> vector<1024x64xf32>
    %slice3A_12 = vector.extract_strided_slice %get3A_1 {offsets = [0, 3072], sizes = [64, 1024], strides = [1, 1]} : vector<64x32768xf32> to vector<64x1024xf32>
    %dot_general3A_13 = arith.constant dense<0.000000e+00> : vector<1024x64xf32>
    %dot_general3A_14 = tpu.matmul %slice3A_12, %get3A_4, %dot_general3A_13 {dimension_numbers = #tpu.dot_dimension_numbers<[0], [0], [1], [1], [0, 1, 1, 1], [], []>, transpose_lhs_hint = true} : vector<64x1024xf32>, vector<64x64xf32>, vector<1024x64xf32> -> vector<1024x64xf32>
    %bitcast_convert_type3A = tpu.bitcast %dot_general3A_5 : vector<1024x64xf32> -> vector<1024x64xi32>
    %bitcast_convert_type3A_15 = tpu.bitcast %dot_general3A_8 : vector<1024x64xf32> -> vector<1024x64xi32>
    %add3A = arith.constant 32767 : i32
    %add3A_16 = vector.broadcast %add3A : i32 to vector<1024x64xi32>
    %add3A_17 = arith.addi %bitcast_convert_type3A, %add3A_16 : vector<1024x64xi32>
    %shift_right_arithmetic3A = arith.constant 16 : i32
    %shift_right_arithmetic3A_18 = vector.broadcast %shift_right_arithmetic3A : i32 to vector<1024x64xi32>
    %shift_right_arithmetic3A_19 = arith.shrsi %bitcast_convert_type3A, %shift_right_arithmetic3A_18 : vector<1024x64xi32>
    %and3A = arith.constant 1 : i32
    %and3A_20 = vector.broadcast %and3A : i32 to vector<1024x64xi32>
    %and3A_21 = arith.andi %shift_right_arithmetic3A_19, %and3A_20 : vector<1024x64xi32>
    %add3A_22 = arith.addi %add3A_17, %and3A_21 : vector<1024x64xi32>
    %add3A_23 = arith.constant 32767 : i32
    %add3A_24 = vector.broadcast %add3A_23 : i32 to vector<1024x64xi32>
    %add3A_25 = arith.addi %bitcast_convert_type3A_15, %add3A_24 : vector<1024x64xi32>
    %shift_right_arithmetic3A_26 = arith.constant 16 : i32
    %shift_right_arithmetic3A_27 = vector.broadcast %shift_right_arithmetic3A_26 : i32 to vector<1024x64xi32>
    %shift_right_arithmetic3A_28 = arith.shrsi %bitcast_convert_type3A_15, %shift_right_arithmetic3A_27 : vector<1024x64xi32>
    %and3A_29 = arith.constant 1 : i32
    %and3A_30 = vector.broadcast %and3A_29 : i32 to vector<1024x64xi32>
    %and3A_31 = arith.andi %shift_right_arithmetic3A_28, %and3A_30 : vector<1024x64xi32>
    %add3A_32 = arith.addi %add3A_25, %and3A_31 : vector<1024x64xi32>
    %and3A_33 = arith.constant -65536 : i32
    %and3A_34 = vector.broadcast %and3A_33 : i32 to vector<1024x64xi32>
    %and3A_35 = arith.andi %add3A_22, %and3A_34 : vector<1024x64xi32>
    %shift_right_arithmetic3A_36 = arith.constant 16 : i32
    %shift_right_arithmetic3A_37 = vector.broadcast %shift_right_arithmetic3A_36 : i32 to vector<1024x64xi32>
    %shift_right_arithmetic3A_38 = arith.shrsi %add3A_32, %shift_right_arithmetic3A_37 : vector<1024x64xi32>
    %and3A_39 = arith.constant 65535 : i32
    %and3A_40 = vector.broadcast %and3A_39 : i32 to vector<1024x64xi32>
    %and3A_41 = arith.andi %shift_right_arithmetic3A_38, %and3A_40 : vector<1024x64xi32>
    %or3A = arith.ori %and3A_35, %and3A_41 : vector<1024x64xi32>
    %bitcast_convert_type3A_42 = tpu.bitcast %or3A : vector<1024x64xi32> -> vector<1024x64xf32>
    %swap3A = arith.constant 0 : index
    %swap3A_43 = arith.constant 0 : index
    %swap3A_44 = vector.load %arg3[%swap3A, %swap3A_43] : memref<8192x128xf32, #tpu.memory_space<vmem>>, vector<1024x64xf32>
    tpu.vector_store %arg3[%swap3A, %swap3A_43], %bitcast_convert_type3A_42 {strides = array<i32>} : memref<8192x128xf32, #tpu.memory_space<vmem>>, vector<1024x64xf32>,
    %bitcast_convert_type3A_45 = tpu.bitcast %dot_general3A_11 : vector<1024x64xf32> -> vector<1024x64xi32>
    %bitcast_convert_type3A_46 = tpu.bitcast %dot_general3A_14 : vector<1024x64xf32> -> vector<1024x64xi32>
    %add3A_47 = arith.constant 32767 : i32
    %add3A_48 = vector.broadcast %add3A_47 : i32 to vector<1024x64xi32>
    %add3A_49 = arith.addi %bitcast_convert_type3A_45, %add3A_48 : vector<1024x64xi32>
    %shift_right_arithmetic3A_50 = arith.constant 16 : i32
    %shift_right_arithmetic3A_51 = vector.broadcast %shift_right_arithmetic3A_50 : i32 to vector<1024x64xi32>
    %shift_right_arithmetic3A_52 = arith.shrsi %bitcast_convert_type3A_45, %shift_right_arithmetic3A_51 : vector<1024x64xi32>
    %and3A_53 = arith.constant 1 : i32
    %and3A_54 = vector.broadcast %and3A_53 : i32 to vector<1024x64xi32>
    %and3A_55 = arith.andi %shift_right_arithmetic3A_52, %and3A_54 : vector<1024x64xi32>
    %add3A_56 = arith.addi %add3A_49, %and3A_55 : vector<1024x64xi32>
    %add3A_57 = arith.constant 32767 : i32
    %add3A_58 = vector.broadcast %add3A_57 : i32 to vector<1024x64xi32>
    %add3A_59 = arith.addi %bitcast_convert_type3A_46, %add3A_58 : vector<1024x64xi32>
    %shift_right_arithmetic3A_60 = arith.constant 16 : i32
    %shift_right_arithmetic3A_61 = vector.broadcast %shift_right_arithmetic3A_60 : i32 to vector<1024x64xi32>
    %shift_right_arithmetic3A_62 = arith.shrsi %bitcast_convert_type3A_46, %shift_right_arithmetic3A_61 : vector<1024x64xi32>
    %and3A_63 = arith.constant 1 : i32
    %and3A_64 = vector.broadcast %and3A_63 : i32 to vector<1024x64xi32>
    %and3A_65 = arith.andi %shift_right_arithmetic3A_62, %and3A_64 : vector<1024x64xi32>
    %add3A_66 = arith.addi %add3A_59, %and3A_65 : vector<1024x64xi32>
    %and3A_67 = arith.constant -65536 : i32
    %and3A_68 = vector.broadcast %and3A_67 : i32 to vector<1024x64xi32>
    %and3A_69 = arith.andi %add3A_56, %and3A_68 : vector<1024x64xi32>
    %shift_right_arithmetic3A_70 = arith.constant 16 : i32
    %shift_right_arithmetic3A_71 = vector.broadcast %shift_right_arithmetic3A_70 : i32 to vector<1024x64xi32>
    %shift_right_arithmetic3A_72 = arith.shrsi %add3A_66, %shift_right_arithmetic3A_71 : vector<1024x64xi32>
    %and3A_73 = arith.constant 65535 : i32
    %and3A_74 = vector.broadcast %and3A_73 : i32 to vector<1024x64xi32>
    %and3A_75 = arith.andi %shift_right_arithmetic3A_72, %and3A_74 : vector<1024x64xi32>
    %or3A_76 = arith.ori %and3A_69, %and3A_75 : vector<1024x64xi32>
    %bitcast_convert_type3A_77 = tpu.bitcast %or3A_76 : vector<1024x64xi32> -> vector<1024x64xf32>
    %swap3A_78 = arith.constant 0 : index
    %swap3A_79 = arith.constant 64 : index
    %swap3A_80 = vector.load %arg3[%swap3A_78, %swap3A_79] : memref<8192x128xf32, #tpu.memory_space<vmem>>, vector<1024x64xf32>
    tpu.vector_store %arg3[%swap3A_78, %swap3A_79], %bitcast_convert_type3A_77 {strides = array<i32>} : memref<8192x128xf32, #tpu.memory_space<vmem>>, vector<1024x64xf32>,
    %slice3A_81 = vector.extract_strided_slice %get3A_1 {offsets = [0, 4096], sizes = [64, 1024], strides = [1, 1]} : vector<64x32768xf32> to vector<64x1024xf32>
    %dot_general3A_82 = arith.constant dense<0.000000e+00> : vector<1024x64xf32>
    %dot_general3A_83 = tpu.matmul %slice3A_81, %get3A_4, %dot_general3A_82 {dimension_numbers = #tpu.dot_dimension_numbers<[0], [0], [1], [1], [0, 1, 1, 1], [], []>, transpose_lhs_hint = true} : vector<64x1024xf32>, vector<64x64xf32>, vector<1024x64xf32> -> vector<1024x64xf32>
    %slice3A_84 = vector.extract_strided_slice %get3A_1 {offsets = [0, 5120], sizes = [64, 1024], strides = [1, 1]} : vector<64x32768xf32> to vector<64x1024xf32>
    %dot_general3A_85 = arith.constant dense<0.000000e+00> : vector<1024x64xf32>
    %dot_general3A_86 = tpu.matmul %slice3A_84, %get3A_4, %dot_general3A_85 {dimension_numbers = #tpu.dot_dimension_numbers<[0], [0], [1], [1], [0, 1, 1, 1], [], []>, transpose_lhs_hint = true} : vector<64x1024xf32>, vector<64x64xf32>, vector<1024x64xf32> -> vector<1024x64xf32>
    %slice3A_87 = vector.extract_strided_slice %get3A_1 {offsets = [0, 6144], sizes = [64, 1024], strides = [1, 1]} : vector<64x32768xf32> to vector<64x1024xf32>
    %dot_general3A_88 = arith.constant dense<0.000000e+00> : vector<1024x64xf32>
    %dot_general3A_89 = tpu.matmul %slice3A_87, %get3A_4, %dot_general3A_88 {dimension_numbers = #tpu.dot_dimension_numbers<[0], [0], [1], [1], [0, 1, 1, 1], [], []>, transpose_lhs_hint = true} : vector<64x1024xf32>, vector<64x64xf32>, vector<1024x64xf32> -> vector<1024x64xf32>
    %slice3A_90 = vector.extract_strided_slice %get3A_1 {offsets = [0, 7168], sizes = [64, 1024], strides = [1, 1]} : vector<64x32768xf32> to vector<64x1024xf32>
    %dot_general3A_91 = arith.constant dense<0.000000e+00> : vector<1024x64xf32>
    %dot_general3A_92 = tpu.matmul %slice3A_90, %get3A_4, %dot_general3A_91 {dimension_numbers = #tpu.dot_dimension_numbers<[0], [0], [1], [1], [0, 1, 1, 1], [], []>, transpose_lhs_hint = true} : vector<64x1024xf32>, vector<64x64xf32>, vector<1024x64xf32> -> vector<1024x64xf32>
    %bitcast_convert_type3A_93 = tpu.bitcast %dot_general3A_83 : vector<1024x64xf32> -> vector<1024x64xi32>
    %bitcast_convert_type3A_94 = tpu.bitcast %dot_general3A_86 : vector<1024x64xf32> -> vector<1024x64xi32>
    %add3A_95 = arith.constant 32767 : i32
    %add3A_96 = vector.broadcast %add3A_95 : i32 to vector<1024x64xi32>
    %add3A_97 = arith.addi %bitcast_convert_type3A_93, %add3A_96 : vector<1024x64xi32>
    %shift_right_arithmetic3A_98 = arith.constant 16 : i32
    %shift_right_arithmetic3A_99 = vector.broadcast %shift_right_arithmetic3A_98 : i32 to vector<1024x64xi32>
    %shift_right_arithmetic3A_100 = arith.shrsi %bitcast_convert_type3A_93, %shift_right_arithmetic3A_99 : vector<1024x64xi32>
    %and3A_101 = arith.constant 1 : i32
    %and3A_102 = vector.broadcast %and3A_101 : i32 to vector<1024x64xi32>
    %and3A_103 = arith.andi %shift_right_arithmetic3A_100, %and3A_102 : vector<1024x64xi32>
    %add3A_104 = arith.addi %add3A_97, %and3A_103 : vector<1024x64xi32>
    %add3A_105 = arith.constant 32767 : i32
    %add3A_106 = vector.broadcast %add3A_105 : i32 to vector<1024x64xi32>
    %add3A_107 = arith.addi %bitcast_convert_type3A_94, %add3A_106 : vector<1024x64xi32>
    %shift_right_arithmetic3A_108 = arith.constant 16 : i32
    %shift_right_arithmetic3A_109 = vector.broadcast %shift_right_arithmetic3A_108 : i32 to vector<1024x64xi32>
    %shift_right_arithmetic3A_110 = arith.shrsi %bitcast_convert_type3A_94, %shift_right_arithmetic3A_109 : vector<1024x64xi32>
    %and3A_111 = arith.constant 1 : i32
    %and3A_112 = vector.broadcast %and3A_111 : i32 to vector<1024x64xi32>
    %and3A_113 = arith.andi %shift_right_arithmetic3A_110, %and3A_112 : vector<1024x64xi32>
    %add3A_114 = arith.addi %add3A_107, %and3A_113 : vector<1024x64xi32>
    %and3A_115 = arith.constant -65536 : i32
    %and3A_116 = vector.broadcast %and3A_115 : i32 to vector<1024x64xi32>
    %and3A_117 = arith.andi %add3A_104, %and3A_116 : vector<1024x64xi32>
    %shift_right_arithmetic3A_118 = arith.constant 16 : i32
    %shift_right_arithmetic3A_119 = vector.broadcast %shift_right_arithmetic3A_118 : i32 to vector<1024x64xi32>
    %shift_right_arithmetic3A_120 = arith.shrsi %add3A_114, %shift_right_arithmetic3A_119 : vector<1024x64xi32>
    %and3A_121 = arith.constant 65535 : i32
    %and3A_122 = vector.broadcast %and3A_121 : i32 to vector<1024x64xi32>
    %and3A_123 = arith.andi %shift_right_arithmetic3A_120, %and3A_122 : vector<1024x64xi32>
    %or3A_124 = arith.ori %and3A_117, %and3A_123 : vector<1024x64xi32>
    %bitcast_convert_type3A_125 = tpu.bitcast %or3A_124 : vector<1024x64xi32> -> vector<1024x64xf32>
    %swap3A_126 = arith.constant 1024 : index
    %swap3A_127 = arith.constant 0 : index
    %swap3A_128 = vector.load %arg3[%swap3A_126, %swap3A_127] : memref<8192x128xf32, #tpu.memory_space<vmem>>, vector<1024x64xf32>
    tpu.vector_store %arg3[%swap3A_126, %swap3A_127], %bitcast_convert_type3A_125 {strides = array<i32>} : memref<8192x128xf32, #tpu.memory_space<vmem>>, vector<1024x64xf32>,
    %bitcast_convert_type3A_129 = tpu.bitcast %dot_general3A_89 : vector<1024x64xf32> -> vector<1024x64xi32>
    %bitcast_convert_type3A_130 = tpu.bitcast %dot_general3A_92 : vector<1024x64xf32> -> vector<1024x64xi32>
    %add3A_131 = arith.constant 32767 : i32
    %add3A_132 = vector.broadcast %add3A_131 : i32 to vector<1024x64xi32>
    %add3A_133 = arith.addi %bitcast_convert_type3A_129, %add3A_132 : vector<1024x64xi32>
    %shift_right_arithmetic3A_134 = arith.constant 16 : i32
    %shift_right_arithmetic3A_135 = vector.broadcast %shift_right_arithmetic3A_134 : i32 to vector<1024x64xi32>
    %shift_right_arithmetic3A_136 = arith.shrsi %bitcast_convert_type3A_129, %shift_right_arithmetic3A_135 : vector<1024x64xi32>
    %and3A_137 = arith.constant 1 : i32
    %and3A_138 = vector.broadcast %and3A_137 : i32 to vector<1024x64xi32>
    %and3A_139 = arith.andi %shift_right_arithmetic3A_136, %and3A_138 : vector<1024x64xi32>
    %add3A_140 = arith.addi %add3A_133, %and3A_139 : vector<1024x64xi32>
    %add3A_141 = arith.constant 32767 : i32
    %add3A_142 = vector.broadcast %add3A_141 : i32 to vector<1024x64xi32>
    %add3A_143 = arith.addi %bitcast_convert_type3A_130, %add3A_142 : vector<1024x64xi32>
    %shift_right_arithmetic3A_144 = arith.constant 16 : i32
    %shift_right_arithmetic3A_145 = vector.broadcast %shift_right_arithmetic3A_144 : i32 to vector<1024x64xi32>
    %shift_right_arithmetic3A_146 = arith.shrsi %bitcast_convert_type3A_130, %shift_right_arithmetic3A_145 : vector<1024x64xi32>
    %and3A_147 = arith.constant 1 : i32
    %and3A_148 = vector.broadcast %and3A_147 : i32 to vector<1024x64xi32>
    %and3A_149 = arith.andi %shift_right_arithmetic3A_146, %and3A_148 : vector<1024x64xi32>
    %add3A_150 = arith.addi %add3A_143, %and3A_149 : vector<1024x64xi32>
    %and3A_151 = arith.constant -65536 : i32
    %and3A_152 = vector.broadcast %and3A_151 : i32 to vector<1024x64xi32>
    %and3A_153 = arith.andi %add3A_140, %and3A_152 : vector<1024x64xi32>
    %shift_right_arithmetic3A_154 = arith.constant 16 : i32
    %shift_right_arithmetic3A_155 = vector.broadcast %shift_right_arithmetic3A_154 : i32 to vector<1024x64xi32>
    %shift_right_arithmetic3A_156 = arith.shrsi %add3A_150, %shift_right_arithmetic3A_155 : vector<1024x64xi32>
    %and3A_157 = arith.constant 65535 : i32
    %and3A_158 = vector.broadcast %and3A_157 : i32 to vector<1024x64xi32>
    %and3A_159 = arith.andi %shift_right_arithmetic3A_156, %and3A_158 : vector<1024x64xi32>
    %or3A_160 = arith.ori %and3A_153, %and3A_159 : vector<1024x64xi32>
    %bitcast_convert_type3A_161 = tpu.bitcast %or3A_160 : vector<1024x64xi32> -> vector<1024x64xf32>
    %swap3A_162 = arith.constant 1024 : index
    %swap3A_163 = arith.constant 64 : index
    %swap3A_164 = vector.load %arg3[%swap3A_162, %swap3A_163] : memref<8192x128xf32, #tpu.memory_space<vmem>>, vector<1024x64xf32>
    tpu.vector_store %arg3[%swap3A_162, %swap3A_163], %bitcast_convert_type3A_161 {strides = array<i32>} : memref<8192x128xf32, #tpu.memory_space<vmem>>, vector<1024x64xf32>,
    %slice3A_165 = vector.extract_strided_slice %get3A_1 {offsets = [0, 8192], sizes = [64, 1024], strides = [1, 1]} : vector<64x32768xf32> to vector<64x1024xf32>
    %dot_general3A_166 = arith.constant dense<0.000000e+00> : vector<1024x64xf32>
    %dot_general3A_167 = tpu.matmul %slice3A_165, %get3A_4, %dot_general3A_166 {dimension_numbers = #tpu.dot_dimension_numbers<[0], [0], [1], [1], [0, 1, 1, 1], [], []>, transpose_lhs_hint = true} : vector<64x1024xf32>, vector<64x64xf32>, vector<1024x64xf32> -> vector<1024x64xf32>
    %slice3A_168 = vector.extract_strided_slice %get3A_1 {offsets = [0, 9216], sizes = [64, 1024], strides = [1, 1]} : vector<64x32768xf32> to vector<64x1024xf32>
    %dot_general3A_169 = arith.constant dense<0.000000e+00> : vector<1024x64xf32>
    %dot_general3A_170 = tpu.matmul %slice3A_168, %get3A_4, %dot_general3A_169 {dimension_numbers = #tpu.dot_dimension_numbers<[0], [0], [1], [1], [0, 1, 1, 1], [], []>, transpose_lhs_hint = true} : vector<64x1024xf32>, vector<64x64xf32>, vector<1024x64xf32> -> vector<1024x64xf32>
    %slice3A_171 = vector.extract_strided_slice %get3A_1 {offsets = [0, 10240], sizes = [64, 1024], strides = [1, 1]} : vector<64x32768xf32> to vector<64x1024xf32>
    %dot_general3A_172 = arith.constant dense<0.000000e+00> : vector<1024x64xf32>
    %dot_general3A_173 = tpu.matmul %slice3A_171, %get3A_4, %dot_general3A_172 {dimension_numbers = #tpu.dot_dimension_numbers<[0], [0], [1], [1], [0, 1, 1, 1], [], []>, transpose_lhs_hint = true} : vector<64x1024xf32>, vector<64x64xf32>, vector<1024x64xf32> -> vector<1024x64xf32>
    %slice3A_174 = vector.extract_strided_slice %get3A_1 {offsets = [0, 11264], sizes = [64, 1024], strides = [1, 1]} : vector<64x32768xf32> to vector<64x1024xf32>
    %dot_general3A_175 = arith.constant dense<0.000000e+00> : vector<1024x64xf32>
    %dot_general3A_176 = tpu.matmul %slice3A_174, %get3A_4, %dot_general3A_175 {dimension_numbers = #tpu.dot_dimension_numbers<[0], [0], [1], [1], [0, 1, 1, 1], [], []>, transpose_lhs_hint = true} : vector<64x1024xf32>, vector<64x64xf32>, vector<1024x64xf32> -> vector<1024x64xf32>
    %bitcast_convert_type3A_177 = tpu.bitcast %dot_general3A_167 : vector<1024x64xf32> -> vector<1024x64xi32>
    %bitcast_convert_type3A_178 = tpu.bitcast %dot_general3A_170 : vector<1024x64xf32> -> vector<1024x64xi32>
    %add3A_179 = arith.constant 32767 : i32
    %add3A_180 = vector.broadcast %add3A_179 : i32 to vector<1024x64xi32>
    %add3A_181 = arith.addi %bitcast_convert_type3A_177, %add3A_180 : vector<1024x64xi32>
    %shift_right_arithmetic3A_182 = arith.constant 16 : i32
    %shift_right_arithmetic3A_183 = vector.broadcast %shift_right_arithmetic3A_182 : i32 to vector<1024x64xi32>
    %shift_right_arithmetic3A_184 = arith.shrsi %bitcast_convert_type3A_177, %shift_right_arithmetic3A_183 : vector<1024x64xi32>
    %and3A_185 = arith.constant 1 : i32
    %and3A_186 = vector.broadcast %and3A_185 : i32 to vector<1024x64xi32>
    %and3A_187 = arith.andi %shift_right_arithmetic3A_184, %and3A_186 : vector<1024x64xi32>
    %add3A_188 = arith.addi %add3A_181, %and3A_187 : vector<1024x64xi32>
    %add3A_189 = arith.constant 32767 : i32
    %add3A_190 = vector.broadcast %add3A_189 : i32 to vector<1024x64xi32>
    %add3A_191 = arith.addi %bitcast_convert_type3A_178, %add3A_190 : vector<1024x64xi32>
    %shift_right_arithmetic3A_192 = arith.constant 16 : i32
    %shift_right_arithmetic3A_193 = vector.broadcast %shift_right_arithmetic3A_192 : i32 to vector<1024x64xi32>
    %shift_right_arithmetic3A_194 = arith.shrsi %bitcast_convert_type3A_178, %shift_right_arithmetic3A_193 : vector<1024x64xi32>
    %and3A_195 = arith.constant 1 : i32
    %and3A_196 = vector.broadcast %and3A_195 : i32 to vector<1024x64xi32>
    %and3A_197 = arith.andi %shift_right_arithmetic3A_194, %and3A_196 : vector<1024x64xi32>
    %add3A_198 = arith.addi %add3A_191, %and3A_197 : vector<1024x64xi32>
    %and3A_199 = arith.constant -65536 : i32
    %and3A_200 = vector.broadcast %and3A_199 : i32 to vector<1024x64xi32>
    %and3A_201 = arith.andi %add3A_188, %and3A_200 : vector<1024x64xi32>
    %shift_right_arithmetic3A_202 = arith.constant 16 : i32
    %shift_right_arithmetic3A_203 = vector.broadcast %shift_right_arithmetic3A_202 : i32 to vector<1024x64xi32>
    %shift_right_arithmetic3A_204 = arith.shrsi %add3A_198, %shift_right_arithmetic3A_203 : vector<1024x64xi32>
    %and3A_205 = arith.constant 65535 : i32
    %and3A_206 = vector.broadcast %and3A_205 : i32 to vector<1024x64xi32>
    %and3A_207 = arith.andi %shift_right_arithmetic3A_204, %and3A_206 : vector<1024x64xi32>
    %or3A_208 = arith.ori %and3A_201, %and3A_207 : vector<1024x64xi32>
    %bitcast_convert_type3A_209 = tpu.bitcast %or3A_208 : vector<1024x64xi32> -> vector<1024x64xf32>
    %swap3A_210 = arith.constant 2048 : index
    %swap3A_211 = arith.constant 0 : index
    %swap3A_212 = vector.load %arg3[%swap3A_210, %swap3A_211] : memref<8192x128xf32, #tpu.memory_space<vmem>>, vector<1024x64xf32>
    tpu.vector_store %arg3[%swap3A_210, %swap3A_211], %bitcast_convert_type3A_209 {strides = array<i32>} : memref<8192x128xf32, #tpu.memory_space<vmem>>, vector<1024x64xf32>,
    %bitcast_convert_type3A_213 = tpu.bitcast %dot_general3A_173 : vector<1024x64xf32> -> vector<1024x64xi32>
    %bitcast_convert_type3A_214 = tpu.bitcast %dot_general3A_176 : vector<1024x64xf32> -> vector<1024x64xi32>
    %add3A_215 = arith.constant 32767 : i32
    %add3A_216 = vector.broadcast %add3A_215 : i32 to vector<1024x64xi32>
    %add3A_217 = arith.addi %bitcast_convert_type3A_213, %add3A_216 : vector<1024x64xi32>
    %shift_right_arithmetic3A_218 = arith.constant 16 : i32
    %shift_right_arithmetic3A_219 = vector.broadcast %shift_right_arithmetic3A_218 : i32 to vector<1024x64xi32>
    %shift_right_arithmetic3A_220 = arith.shrsi %bitcast_convert_type3A_213, %shift_right_arithmetic3A_219 : vector<1024x64xi32>
    %and3A_221 = arith.constant 1 : i32
    %and3A_222 = vector.broadcast %and3A_221 : i32 to vector<1024x64xi32>
    %and3A_223 = arith.andi %shift_right_arithmetic3A_220, %and3A_222 : vector<1024x64xi32>
    %add3A_224 = arith.addi %add3A_217, %and3A_223 : vector<1024x64xi32>
    %add3A_225 = arith.constant 32767 : i32
    %add3A_226 = vector.broadcast %add3A_225 : i32 to vector<1024x64xi32>
    %add3A_227 = arith.addi %bitcast_convert_type3A_214, %add3A_226 : vector<1024x64xi32>
    %shift_right_arithmetic3A_228 = arith.constant 16 : i32
    %shift_right_arithmetic3A_229 = vector.broadcast %shift_right_arithmetic3A_228 : i32 to vector<1024x64xi32>
    %shift_right_arithmetic3A_230 = arith.shrsi %bitcast_convert_type3A_214, %shift_right_arithmetic3A_229 : vector<1024x64xi32>
    %and3A_231 = arith.constant 1 : i32
    %and3A_232 = vector.broadcast %and3A_231 : i32 to vector<1024x64xi32>
    %and3A_233 = arith.andi %shift_right_arithmetic3A_230, %and3A_232 : vector<1024x64xi32>
    %add3A_234 = arith.addi %add3A_227, %and3A_233 : vector<1024x64xi32>
    %and3A_235 = arith.constant -65536 : i32
    %and3A_236 = vector.broadcast %and3A_235 : i32 to vector<1024x64xi32>
    %and3A_237 = arith.andi %add3A_224, %and3A_236 : vector<1024x64xi32>
    %shift_right_arithmetic3A_238 = arith.constant 16 : i32
    %shift_right_arithmetic3A_239 = vector.broadcast %shift_right_arithmetic3A_238 : i32 to vector<1024x64xi32>
    %shift_right_arithmetic3A_240 = arith.shrsi %add3A_234, %shift_right_arithmetic3A_239 : vector<1024x64xi32>
    %and3A_241 = arith.constant 65535 : i32
    %and3A_242 = vector.broadcast %and3A_241 : i32 to vector<1024x64xi32>
    %and3A_243 = arith.andi %shift_right_arithmetic3A_240, %and3A_242 : vector<1024x64xi32>
    %or3A_244 = arith.ori %and3A_237, %and3A_243 : vector<1024x64xi32>
    %bitcast_convert_type3A_245 = tpu.bitcast %or3A_244 : vector<1024x64xi32> -> vector<1024x64xf32>
    %swap3A_246 = arith.constant 2048 : index
    %swap3A_247 = arith.constant 64 : index
    %swap3A_248 = vector.load %arg3[%swap3A_246, %swap3A_247] : memref<8192x128xf32, #tpu.memory_space<vmem>>, vector<1024x64xf32>
    tpu.vector_store %arg3[%swap3A_246, %swap3A_247], %bitcast_convert_type3A_245 {strides = array<i32>} : memref<8192x128xf32, #tpu.memory_space<vmem>>, vector<1024x64xf32>,
    %slice3A_249 = vector.extract_strided_slice %get3A_1 {offsets = [0, 12288], sizes = [64, 1024], strides = [1, 1]} : vector<64x32768xf32> to vector<64x1024xf32>
    %dot_general3A_250 = arith.constant dense<0.000000e+00> : vector<1024x64xf32>
    %dot_general3A_251 = tpu.matmul %slice3A_249, %get3A_4, %dot_general3A_250 {dimension_numbers = #tpu.dot_dimension_numbers<[0], [0], [1], [1], [0, 1, 1, 1], [], []>, transpose_lhs_hint = true} : vector<64x1024xf32>, vector<64x64xf32>, vector<1024x64xf32> -> vector<1024x64xf32>
    %slice3A_252 = vector.extract_strided_slice %get3A_1 {offsets = [0, 13312], sizes = [64, 1024], strides = [1, 1]} : vector<64x32768xf32> to vector<64x1024xf32>
    %dot_general3A_253 = arith.constant dense<0.000000e+00> : vector<1024x64xf32>
    %dot_general3A_254 = tpu.matmul %slice3A_252, %get3A_4, %dot_general3A_253 {dimension_numbers = #tpu.dot_dimension_numbers<[0], [0], [1], [1], [0, 1, 1, 1], [], []>, transpose_lhs_hint = true} : vector<64x1024xf32>, vector<64x64xf32>, vector<1024x64xf32> -> vector<1024x64xf32>
    %slice3A_255 = vector.extract_strided_slice %get3A_1 {offsets = [0, 14336], sizes = [64, 1024], strides = [1, 1]} : vector<64x32768xf32> to vector<64x1024xf32>
    %dot_general3A_256 = arith.constant dense<0.000000e+00> : vector<1024x64xf32>
    %dot_general3A_257 = tpu.matmul %slice3A_255, %get3A_4, %dot_general3A_256 {dimension_numbers = #tpu.dot_dimension_numbers<[0], [0], [1], [1], [0, 1, 1, 1], [], []>, transpose_lhs_hint = true} : vector<64x1024xf32>, vector<64x64xf32>, vector<1024x64xf32> -> vector<1024x64xf32>
    %slice3A_258 = vector.extract_strided_slice %get3A_1 {offsets = [0, 15360], sizes = [64, 1024], strides = [1, 1]} : vector<64x32768xf32> to vector<64x1024xf32>
    %dot_general3A_259 = arith.constant dense<0.000000e+00> : vector<1024x64xf32>
    %dot_general3A_260 = tpu.matmul %slice3A_258, %get3A_4, %dot_general3A_259 {dimension_numbers = #tpu.dot_dimension_numbers<[0], [0], [1], [1], [0, 1, 1, 1], [], []>, transpose_lhs_hint = true} : vector<64x1024xf32>, vector<64x64xf32>, vector<1024x64xf32> -> vector<1024x64xf32>
    %bitcast_convert_type3A_261 = tpu.bitcast %dot_general3A_251 : vector<1024x64xf32> -> vector<1024x64xi32>
    %bitcast_convert_type3A_262 = tpu.bitcast %dot_general3A_254 : vector<1024x64xf32> -> vector<1024x64xi32>
    %add3A_263 = arith.constant 32767 : i32
    %add3A_264 = vector.broadcast %add3A_263 : i32 to vector<1024x64xi32>
    %add3A_265 = arith.addi %bitcast_convert_type3A_261, %add3A_264 : vector<1024x64xi32>
    %shift_right_arithmetic3A_266 = arith.constant 16 : i32
    %shift_right_arithmetic3A_267 = vector.broadcast %shift_right_arithmetic3A_266 : i32 to vector<1024x64xi32>
    %shift_right_arithmetic3A_268 = arith.shrsi %bitcast_convert_type3A_261, %shift_right_arithmetic3A_267 : vector<1024x64xi32>
    %and3A_269 = arith.constant 1 : i32
    %and3A_270 = vector.broadcast %and3A_269 : i32 to vector<1024x64xi32>
    %and3A_271 = arith.andi %shift_right_arithmetic3A_268, %and3A_270 : vector<1024x64xi32>
    %add3A_272 = arith.addi %add3A_265, %and3A_271 : vector<1024x64xi32>
    %add3A_273 = arith.constant 32767 : i32
    %add3A_274 = vector.broadcast %add3A_273 : i32 to vector<1024x64xi32>
    %add3A_275 = arith.addi %bitcast_convert_type3A_262, %add3A_274 : vector<1024x64xi32>
    %shift_right_arithmetic3A_276 = arith.constant 16 : i32
    %shift_right_arithmetic3A_277 = vector.broadcast %shift_right_arithmetic3A_276 : i32 to vector<1024x64xi32>
    %shift_right_arithmetic3A_278 = arith.shrsi %bitcast_convert_type3A_262, %shift_right_arithmetic3A_277 : vector<1024x64xi32>
    %and3A_279 = arith.constant 1 : i32
    %and3A_280 = vector.broadcast %and3A_279 : i32 to vector<1024x64xi32>
    %and3A_281 = arith.andi %shift_right_arithmetic3A_278, %and3A_280 : vector<1024x64xi32>
    %add3A_282 = arith.addi %add3A_275, %and3A_281 : vector<1024x64xi32>
    %and3A_283 = arith.constant -65536 : i32
    %and3A_284 = vector.broadcast %and3A_283 : i32 to vector<1024x64xi32>
    %and3A_285 = arith.andi %add3A_272, %and3A_284 : vector<1024x64xi32>
    %shift_right_arithmetic3A_286 = arith.constant 16 : i32
    %shift_right_arithmetic3A_287 = vector.broadcast %shift_right_arithmetic3A_286 : i32 to vector<1024x64xi32>
    %shift_right_arithmetic3A_288 = arith.shrsi %add3A_282, %shift_right_arithmetic3A_287 : vector<1024x64xi32>
    %and3A_289 = arith.constant 65535 : i32
    %and3A_290 = vector.broadcast %and3A_289 : i32 to vector<1024x64xi32>
    %and3A_291 = arith.andi %shift_right_arithmetic3A_288, %and3A_290 : vector<1024x64xi32>
    %or3A_292 = arith.ori %and3A_285, %and3A_291 : vector<1024x64xi32>
    %bitcast_convert_type3A_293 = tpu.bitcast %or3A_292 : vector<1024x64xi32> -> vector<1024x64xf32>
    %swap3A_294 = arith.constant 3072 : index
    %swap3A_295 = arith.constant 0 : index
    %swap3A_296 = vector.load %arg3[%swap3A_294, %swap3A_295] : memref<8192x128xf32, #tpu.memory_space<vmem>>, vector<1024x64xf32>
    tpu.vector_store %arg3[%swap3A_294, %swap3A_295], %bitcast_convert_type3A_293 {strides = array<i32>} : memref<8192x128xf32, #tpu.memory_space<vmem>>, vector<1024x64xf32>,
    %bitcast_convert_type3A_297 = tpu.bitcast %dot_general3A_257 : vector<1024x64xf32> -> vector<1024x64xi32>
    %bitcast_convert_type3A_298 = tpu.bitcast %dot_general3A_260 : vector<1024x64xf32> -> vector<1024x64xi32>
    %add3A_299 = arith.constant 32767 : i32
    %add3A_300 = vector.broadcast %add3A_299 : i32 to vector<1024x64xi32>
    %add3A_301 = arith.addi %bitcast_convert_type3A_297, %add3A_300 : vector<1024x64xi32>
    %shift_right_arithmetic3A_302 = arith.constant 16 : i32
    %shift_right_arithmetic3A_303 = vector.broadcast %shift_right_arithmetic3A_302 : i32 to vector<1024x64xi32>
    %shift_right_arithmetic3A_304 = arith.shrsi %bitcast_convert_type3A_297, %shift_right_arithmetic3A_303 : vector<1024x64xi32>
    %and3A_305 = arith.constant 1 : i32
    %and3A_306 = vector.broadcast %and3A_305 : i32 to vector<1024x64xi32>
    %and3A_307 = arith.andi %shift_right_arithmetic3A_304, %and3A_306 : vector<1024x64xi32>
    %add3A_308 = arith.addi %add3A_301, %and3A_307 : vector<1024x64xi32>
    %add3A_309 = arith.constant 32767 : i32
    %add3A_310 = vector.broadcast %add3A_309 : i32 to vector<1024x64xi32>
    %add3A_311 = arith.addi %bitcast_convert_type3A_298, %add3A_310 : vector<1024x64xi32>
    %shift_right_arithmetic3A_312 = arith.constant 16 : i32
    %shift_right_arithmetic3A_313 = vector.broadcast %shift_right_arithmetic3A_312 : i32 to vector<1024x64xi32>
    %shift_right_arithmetic3A_314 = arith.shrsi %bitcast_convert_type3A_298, %shift_right_arithmetic3A_313 : vector<1024x64xi32>
    %and3A_315 = arith.constant 1 : i32
    %and3A_316 = vector.broadcast %and3A_315 : i32 to vector<1024x64xi32>
    %and3A_317 = arith.andi %shift_right_arithmetic3A_314, %and3A_316 : vector<1024x64xi32>
    %add3A_318 = arith.addi %add3A_311, %and3A_317 : vector<1024x64xi32>
    %and3A_319 = arith.constant -65536 : i32
    %and3A_320 = vector.broadcast %and3A_319 : i32 to vector<1024x64xi32>
    %and3A_321 = arith.andi %add3A_308, %and3A_320 : vector<1024x64xi32>
    %shift_right_arithmetic3A_322 = arith.constant 16 : i32
    %shift_right_arithmetic3A_323 = vector.broadcast %shift_right_arithmetic3A_322 : i32 to vector<1024x64xi32>
    %shift_right_arithmetic3A_324 = arith.shrsi %add3A_318, %shift_right_arithmetic3A_323 : vector<1024x64xi32>
    %and3A_325 = arith.constant 65535 : i32
    %and3A_326 = vector.broadcast %and3A_325 : i32 to vector<1024x64xi32>
    %and3A_327 = arith.andi %shift_right_arithmetic3A_324, %and3A_326 : vector<1024x64xi32>
    %or3A_328 = arith.ori %and3A_321, %and3A_327 : vector<1024x64xi32>
    %bitcast_convert_type3A_329 = tpu.bitcast %or3A_328 : vector<1024x64xi32> -> vector<1024x64xf32>
    %swap3A_330 = arith.constant 3072 : index
    %swap3A_331 = arith.constant 64 : index
    %swap3A_332 = vector.load %arg3[%swap3A_330, %swap3A_331] : memref<8192x128xf32, #tpu.memory_space<vmem>>, vector<1024x64xf32>
    tpu.vector_store %arg3[%swap3A_330, %swap3A_331], %bitcast_convert_type3A_329 {strides = array<i32>} : memref<8192x128xf32, #tpu.memory_space<vmem>>, vector<1024x64xf32>,
    %slice3A_333 = vector.extract_strided_slice %get3A_1 {offsets = [0, 16384], sizes = [64, 1024], strides = [1, 1]} : vector<64x32768xf32> to vector<64x1024xf32>
    %dot_general3A_334 = arith.constant dense<0.000000e+00> : vector<1024x64xf32>
    %dot_general3A_335 = tpu.matmul %slice3A_333, %get3A_4, %dot_general3A_334 {dimension_numbers = #tpu.dot_dimension_numbers<[0], [0], [1], [1], [0, 1, 1, 1], [], []>, transpose_lhs_hint = true} : vector<64x1024xf32>, vector<64x64xf32>, vector<1024x64xf32> -> vector<1024x64xf32>
    %slice3A_336 = vector.extract_strided_slice %get3A_1 {offsets = [0, 17408], sizes = [64, 1024], strides = [1, 1]} : vector<64x32768xf32> to vector<64x1024xf32>
    %dot_general3A_337 = arith.constant dense<0.000000e+00> : vector<1024x64xf32>
    %dot_general3A_338 = tpu.matmul %slice3A_336, %get3A_4, %dot_general3A_337 {dimension_numbers = #tpu.dot_dimension_numbers<[0], [0], [1], [1], [0, 1, 1, 1], [], []>, transpose_lhs_hint = true} : vector<64x1024xf32>, vector<64x64xf32>, vector<1024x64xf32> -> vector<1024x64xf32>
    %slice3A_339 = vector.extract_strided_slice %get3A_1 {offsets = [0, 18432], sizes = [64, 1024], strides = [1, 1]} : vector<64x32768xf32> to vector<64x1024xf32>
    %dot_general3A_340 = arith.constant dense<0.000000e+00> : vector<1024x64xf32>
    %dot_general3A_341 = tpu.matmul %slice3A_339, %get3A_4, %dot_general3A_340 {dimension_numbers = #tpu.dot_dimension_numbers<[0], [0], [1], [1], [0, 1, 1, 1], [], []>, transpose_lhs_hint = true} : vector<64x1024xf32>, vector<64x64xf32>, vector<1024x64xf32> -> vector<1024x64xf32>
    %slice3A_342 = vector.extract_strided_slice %get3A_1 {offsets = [0, 19456], sizes = [64, 1024], strides = [1, 1]} : vector<64x32768xf32> to vector<64x1024xf32>
    %dot_general3A_343 = arith.constant dense<0.000000e+00> : vector<1024x64xf32>
    %dot_general3A_344 = tpu.matmul %slice3A_342, %get3A_4, %dot_general3A_343 {dimension_numbers = #tpu.dot_dimension_numbers<[0], [0], [1], [1], [0, 1, 1, 1], [], []>, transpose_lhs_hint = true} : vector<64x1024xf32>, vector<64x64xf32>, vector<1024x64xf32> -> vector<1024x64xf32>
    %bitcast_convert_type3A_345 = tpu.bitcast %dot_general3A_335 : vector<1024x64xf32> -> vector<1024x64xi32>
    %bitcast_convert_type3A_346 = tpu.bitcast %dot_general3A_338 : vector<1024x64xf32> -> vector<1024x64xi32>
    %add3A_347 = arith.constant 32767 : i32
    %add3A_348 = vector.broadcast %add3A_347 : i32 to vector<1024x64xi32>
    %add3A_349 = arith.addi %bitcast_convert_type3A_345, %add3A_348 : vector<1024x64xi32>
    %shift_right_arithmetic3A_350 = arith.constant 16 : i32
    %shift_right_arithmetic3A_351 = vector.broadcast %shift_right_arithmetic3A_350 : i32 to vector<1024x64xi32>
    %shift_right_arithmetic3A_352 = arith.shrsi %bitcast_convert_type3A_345, %shift_right_arithmetic3A_351 : vector<1024x64xi32>
    %and3A_353 = arith.constant 1 : i32
    %and3A_354 = vector.broadcast %and3A_353 : i32 to vector<1024x64xi32>
    %and3A_355 = arith.andi %shift_right_arithmetic3A_352, %and3A_354 : vector<1024x64xi32>
    %add3A_356 = arith.addi %add3A_349, %and3A_355 : vector<1024x64xi32>
    %add3A_357 = arith.constant 32767 : i32
    %add3A_358 = vector.broadcast %add3A_357 : i32 to vector<1024x64xi32>
    %add3A_359 = arith.addi %bitcast_convert_type3A_346, %add3A_358 : vector<1024x64xi32>
    %shift_right_arithmetic3A_360 = arith.constant 16 : i32
    %shift_right_arithmetic3A_361 = vector.broadcast %shift_right_arithmetic3A_360 : i32 to vector<1024x64xi32>
    %shift_right_arithmetic3A_362 = arith.shrsi %bitcast_convert_type3A_346, %shift_right_arithmetic3A_361 : vector<1024x64xi32>
    %and3A_363 = arith.constant 1 : i32
    %and3A_364 = vector.broadcast %and3A_363 : i32 to vector<1024x64xi32>
    %and3A_365 = arith.andi %shift_right_arithmetic3A_362, %and3A_364 : vector<1024x64xi32>
    %add3A_366 = arith.addi %add3A_359, %and3A_365 : vector<1024x64xi32>
    %and3A_367 = arith.constant -65536 : i32
    %and3A_368 = vector.broadcast %and3A_367 : i32 to vector<1024x64xi32>
    %and3A_369 = arith.andi %add3A_356, %and3A_368 : vector<1024x64xi32>
    %shift_right_arithmetic3A_370 = arith.constant 16 : i32
    %shift_right_arithmetic3A_371 = vector.broadcast %shift_right_arithmetic3A_370 : i32 to vector<1024x64xi32>
    %shift_right_arithmetic3A_372 = arith.shrsi %add3A_366, %shift_right_arithmetic3A_371 : vector<1024x64xi32>
    %and3A_373 = arith.constant 65535 : i32
    %and3A_374 = vector.broadcast %and3A_373 : i32 to vector<1024x64xi32>
    %and3A_375 = arith.andi %shift_right_arithmetic3A_372, %and3A_374 : vector<1024x64xi32>
    %or3A_376 = arith.ori %and3A_369, %and3A_375 : vector<1024x64xi32>
    %bitcast_convert_type3A_377 = tpu.bitcast %or3A_376 : vector<1024x64xi32> -> vector<1024x64xf32>
    %swap3A_378 = arith.constant 4096 : index
    %swap3A_379 = arith.constant 0 : index
    %swap3A_380 = vector.load %arg3[%swap3A_378, %swap3A_379] : memref<8192x128xf32, #tpu.memory_space<vmem>>, vector<1024x64xf32>
    tpu.vector_store %arg3[%swap3A_378, %swap3A_379], %bitcast_convert_type3A_377 {strides = array<i32>} : memref<8192x128xf32, #tpu.memory_space<vmem>>, vector<1024x64xf32>,
    %bitcast_convert_type3A_381 = tpu.bitcast %dot_general3A_341 : vector<1024x64xf32> -> vector<1024x64xi32>
    %bitcast_convert_type3A_382 = tpu.bitcast %dot_general3A_344 : vector<1024x64xf32> -> vector<1024x64xi32>
    %add3A_383 = arith.constant 32767 : i32
    %add3A_384 = vector.broadcast %add3A_383 : i32 to vector<1024x64xi32>
    %add3A_385 = arith.addi %bitcast_convert_type3A_381, %add3A_384 : vector<1024x64xi32>
    %shift_right_arithmetic3A_386 = arith.constant 16 : i32
    %shift_right_arithmetic3A_387 = vector.broadcast %shift_right_arithmetic3A_386 : i32 to vector<1024x64xi32>
    %shift_right_arithmetic3A_388 = arith.shrsi %bitcast_convert_type3A_381, %shift_right_arithmetic3A_387 : vector<1024x64xi32>
    %and3A_389 = arith.constant 1 : i32
    %and3A_390 = vector.broadcast %and3A_389 : i32 to vector<1024x64xi32>
    %and3A_391 = arith.andi %shift_right_arithmetic3A_388, %and3A_390 : vector<1024x64xi32>
    %add3A_392 = arith.addi %add3A_385, %and3A_391 : vector<1024x64xi32>
    %add3A_393 = arith.constant 32767 : i32
    %add3A_394 = vector.broadcast %add3A_393 : i32 to vector<1024x64xi32>
    %add3A_395 = arith.addi %bitcast_convert_type3A_382, %add3A_394 : vector<1024x64xi32>
    %shift_right_arithmetic3A_396 = arith.constant 16 : i32
    %shift_right_arithmetic3A_397 = vector.broadcast %shift_right_arithmetic3A_396 : i32 to vector<1024x64xi32>
    %shift_right_arithmetic3A_398 = arith.shrsi %bitcast_convert_type3A_382, %shift_right_arithmetic3A_397 : vector<1024x64xi32>
    %and3A_399 = arith.constant 1 : i32
    %and3A_400 = vector.broadcast %and3A_399 : i32 to vector<1024x64xi32>
    %and3A_401 = arith.andi %shift_right_arithmetic3A_398, %and3A_400 : vector<1024x64xi32>
    %add3A_402 = arith.addi %add3A_395, %and3A_401 : vector<1024x64xi32>
    %and3A_403 = arith.constant -65536 : i32
    %and3A_404 = vector.broadcast %and3A_403 : i32 to vector<1024x64xi32>
    %and3A_405 = arith.andi %add3A_392, %and3A_404 : vector<1024x64xi32>
    %shift_right_arithmetic3A_406 = arith.constant 16 : i32
    %shift_right_arithmetic3A_407 = vector.broadcast %shift_right_arithmetic3A_406 : i32 to vector<1024x64xi32>
    %shift_right_arithmetic3A_408 = arith.shrsi %add3A_402, %shift_right_arithmetic3A_407 : vector<1024x64xi32>
    %and3A_409 = arith.constant 65535 : i32
    %and3A_410 = vector.broadcast %and3A_409 : i32 to vector<1024x64xi32>
    %and3A_411 = arith.andi %shift_right_arithmetic3A_408, %and3A_410 : vector<1024x64xi32>
    %or3A_412 = arith.ori %and3A_405, %and3A_411 : vector<1024x64xi32>
    %bitcast_convert_type3A_413 = tpu.bitcast %or3A_412 : vector<1024x64xi32> -> vector<1024x64xf32>
    %swap3A_414 = arith.constant 4096 : index
    %swap3A_415 = arith.constant 64 : index
    %swap3A_416 = vector.load %arg3[%swap3A_414, %swap3A_415] : memref<8192x128xf32, #tpu.memory_space<vmem>>, vector<1024x64xf32>
    tpu.vector_store %arg3[%swap3A_414, %swap3A_415], %bitcast_convert_type3A_413 {strides = array<i32>} : memref<8192x128xf32, #tpu.memory_space<vmem>>, vector<1024x64xf32>,
    %slice3A_417 = vector.extract_strided_slice %get3A_1 {offsets = [0, 20480], sizes = [64, 1024], strides = [1, 1]} : vector<64x32768xf32> to vector<64x1024xf32>
    %dot_general3A_418 = arith.constant dense<0.000000e+00> : vector<1024x64xf32>
    %dot_general3A_419 = tpu.matmul %slice3A_417, %get3A_4, %dot_general3A_418 {dimension_numbers = #tpu.dot_dimension_numbers<[0], [0], [1], [1], [0, 1, 1, 1], [], []>, transpose_lhs_hint = true} : vector<64x1024xf32>, vector<64x64xf32>, vector<1024x64xf32> -> vector<1024x64xf32>
    %slice3A_420 = vector.extract_strided_slice %get3A_1 {offsets = [0, 21504], sizes = [64, 1024], strides = [1, 1]} : vector<64x32768xf32> to vector<64x1024xf32>
    %dot_general3A_421 = arith.constant dense<0.000000e+00> : vector<1024x64xf32>
    %dot_general3A_422 = tpu.matmul %slice3A_420, %get3A_4, %dot_general3A_421 {dimension_numbers = #tpu.dot_dimension_numbers<[0], [0], [1], [1], [0, 1, 1, 1], [], []>, transpose_lhs_hint = true} : vector<64x1024xf32>, vector<64x64xf32>, vector<1024x64xf32> -> vector<1024x64xf32>
    %slice3A_423 = vector.extract_strided_slice %get3A_1 {offsets = [0, 22528], sizes = [64, 1024], strides = [1, 1]} : vector<64x32768xf32> to vector<64x1024xf32>
    %dot_general3A_424 = arith.constant dense<0.000000e+00> : vector<1024x64xf32>
    %dot_general3A_425 = tpu.matmul %slice3A_423, %get3A_4, %dot_general3A_424 {dimension_numbers = #tpu.dot_dimension_numbers<[0], [0], [1], [1], [0, 1, 1, 1], [], []>, transpose_lhs_hint = true} : vector<64x1024xf32>, vector<64x64xf32>, vector<1024x64xf32> -> vector<1024x64xf32>
    %slice3A_426 = vector.extract_strided_slice %get3A_1 {offsets = [0, 23552], sizes = [64, 1024], strides = [1, 1]} : vector<64x32768xf32> to vector<64x1024xf32>
    %dot_general3A_427 = arith.constant dense<0.000000e+00> : vector<1024x64xf32>
    %dot_general3A_428 = tpu.matmul %slice3A_426, %get3A_4, %dot_general3A_427 {dimension_numbers = #tpu.dot_dimension_numbers<[0], [0], [1], [1], [0, 1, 1, 1], [], []>, transpose_lhs_hint = true} : vector<64x1024xf32>, vector<64x64xf32>, vector<1024x64xf32> -> vector<1024x64xf32>
    %bitcast_convert_type3A_429 = tpu.bitcast %dot_general3A_419 : vector<1024x64xf32> -> vector<1024x64xi32>
    %bitcast_convert_type3A_430 = tpu.bitcast %dot_general3A_422 : vector<1024x64xf32> -> vector<1024x64xi32>
    %add3A_431 = arith.constant 32767 : i32
    %add3A_432 = vector.broadcast %add3A_431 : i32 to vector<1024x64xi32>
    %add3A_433 = arith.addi %bitcast_convert_type3A_429, %add3A_432 : vector<1024x64xi32>
    %shift_right_arithmetic3A_434 = arith.constant 16 : i32
    %shift_right_arithmetic3A_435 = vector.broadcast %shift_right_arithmetic3A_434 : i32 to vector<1024x64xi32>
    %shift_right_arithmetic3A_436 = arith.shrsi %bitcast_convert_type3A_429, %shift_right_arithmetic3A_435 : vector<1024x64xi32>
    %and3A_437 = arith.constant 1 : i32
    %and3A_438 = vector.broadcast %and3A_437 : i32 to vector<1024x64xi32>
    %and3A_439 = arith.andi %shift_right_arithmetic3A_436, %and3A_438 : vector<1024x64xi32>
    %add3A_440 = arith.addi %add3A_433, %and3A_439 : vector<1024x64xi32>
    %add3A_441 = arith.constant 32767 : i32
    %add3A_442 = vector.broadcast %add3A_441 : i32 to vector<1024x64xi32>
    %add3A_443 = arith.addi %bitcast_convert_type3A_430, %add3A_442 : vector<1024x64xi32>
    %shift_right_arithmetic3A_444 = arith.constant 16 : i32
    %shift_right_arithmetic3A_445 = vector.broadcast %shift_right_arithmetic3A_444 : i32 to vector<1024x64xi32>
    %shift_right_arithmetic3A_446 = arith.shrsi %bitcast_convert_type3A_430, %shift_right_arithmetic3A_445 : vector<1024x64xi32>
    %and3A_447 = arith.constant 1 : i32
    %and3A_448 = vector.broadcast %and3A_447 : i32 to vector<1024x64xi32>
    %and3A_449 = arith.andi %shift_right_arithmetic3A_446, %and3A_448 : vector<1024x64xi32>
    %add3A_450 = arith.addi %add3A_443, %and3A_449 : vector<1024x64xi32>
    %and3A_451 = arith.constant -65536 : i32
    %and3A_452 = vector.broadcast %and3A_451 : i32 to vector<1024x64xi32>
    %and3A_453 = arith.andi %add3A_440, %and3A_452 : vector<1024x64xi32>
    %shift_right_arithmetic3A_454 = arith.constant 16 : i32
    %shift_right_arithmetic3A_455 = vector.broadcast %shift_right_arithmetic3A_454 : i32 to vector<1024x64xi32>
    %shift_right_arithmetic3A_456 = arith.shrsi %add3A_450, %shift_right_arithmetic3A_455 : vector<1024x64xi32>
    %and3A_457 = arith.constant 65535 : i32
    %and3A_458 = vector.broadcast %and3A_457 : i32 to vector<1024x64xi32>
    %and3A_459 = arith.andi %shift_right_arithmetic3A_456, %and3A_458 : vector<1024x64xi32>
    %or3A_460 = arith.ori %and3A_453, %and3A_459 : vector<1024x64xi32>
    %bitcast_convert_type3A_461 = tpu.bitcast %or3A_460 : vector<1024x64xi32> -> vector<1024x64xf32>
    %swap3A_462 = arith.constant 5120 : index
    %swap3A_463 = arith.constant 0 : index
    %swap3A_464 = vector.load %arg3[%swap3A_462, %swap3A_463] : memref<8192x128xf32, #tpu.memory_space<vmem>>, vector<1024x64xf32>
    tpu.vector_store %arg3[%swap3A_462, %swap3A_463], %bitcast_convert_type3A_461 {strides = array<i32>} : memref<8192x128xf32, #tpu.memory_space<vmem>>, vector<1024x64xf32>,
    %bitcast_convert_type3A_465 = tpu.bitcast %dot_general3A_425 : vector<1024x64xf32> -> vector<1024x64xi32>
    %bitcast_convert_type3A_466 = tpu.bitcast %dot_general3A_428 : vector<1024x64xf32> -> vector<1024x64xi32>
    %add3A_467 = arith.constant 32767 : i32
    %add3A_468 = vector.broadcast %add3A_467 : i32 to vector<1024x64xi32>
    %add3A_469 = arith.addi %bitcast_convert_type3A_465, %add3A_468 : vector<1024x64xi32>
    %shift_right_arithmetic3A_470 = arith.constant 16 : i32
    %shift_right_arithmetic3A_471 = vector.broadcast %shift_right_arithmetic3A_470 : i32 to vector<1024x64xi32>
    %shift_right_arithmetic3A_472 = arith.shrsi %bitcast_convert_type3A_465, %shift_right_arithmetic3A_471 : vector<1024x64xi32>
    %and3A_473 = arith.constant 1 : i32
    %and3A_474 = vector.broadcast %and3A_473 : i32 to vector<1024x64xi32>
    %and3A_475 = arith.andi %shift_right_arithmetic3A_472, %and3A_474 : vector<1024x64xi32>
    %add3A_476 = arith.addi %add3A_469, %and3A_475 : vector<1024x64xi32>
    %add3A_477 = arith.constant 32767 : i32
    %add3A_478 = vector.broadcast %add3A_477 : i32 to vector<1024x64xi32>
    %add3A_479 = arith.addi %bitcast_convert_type3A_466, %add3A_478 : vector<1024x64xi32>
    %shift_right_arithmetic3A_480 = arith.constant 16 : i32
    %shift_right_arithmetic3A_481 = vector.broadcast %shift_right_arithmetic3A_480 : i32 to vector<1024x64xi32>
    %shift_right_arithmetic3A_482 = arith.shrsi %bitcast_convert_type3A_466, %shift_right_arithmetic3A_481 : vector<1024x64xi32>
    %and3A_483 = arith.constant 1 : i32
    %and3A_484 = vector.broadcast %and3A_483 : i32 to vector<1024x64xi32>
    %and3A_485 = arith.andi %shift_right_arithmetic3A_482, %and3A_484 : vector<1024x64xi32>
    %add3A_486 = arith.addi %add3A_479, %and3A_485 : vector<1024x64xi32>
    %and3A_487 = arith.constant -65536 : i32
    %and3A_488 = vector.broadcast %and3A_487 : i32 to vector<1024x64xi32>
    %and3A_489 = arith.andi %add3A_476, %and3A_488 : vector<1024x64xi32>
    %shift_right_arithmetic3A_490 = arith.constant 16 : i32
    %shift_right_arithmetic3A_491 = vector.broadcast %shift_right_arithmetic3A_490 : i32 to vector<1024x64xi32>
    %shift_right_arithmetic3A_492 = arith.shrsi %add3A_486, %shift_right_arithmetic3A_491 : vector<1024x64xi32>
    %and3A_493 = arith.constant 65535 : i32
    %and3A_494 = vector.broadcast %and3A_493 : i32 to vector<1024x64xi32>
    %and3A_495 = arith.andi %shift_right_arithmetic3A_492, %and3A_494 : vector<1024x64xi32>
    %or3A_496 = arith.ori %and3A_489, %and3A_495 : vector<1024x64xi32>
    %bitcast_convert_type3A_497 = tpu.bitcast %or3A_496 : vector<1024x64xi32> -> vector<1024x64xf32>
    %swap3A_498 = arith.constant 5120 : index
    %swap3A_499 = arith.constant 64 : index
    %swap3A_500 = vector.load %arg3[%swap3A_498, %swap3A_499] : memref<8192x128xf32, #tpu.memory_space<vmem>>, vector<1024x64xf32>
    tpu.vector_store %arg3[%swap3A_498, %swap3A_499], %bitcast_convert_type3A_497 {strides = array<i32>} : memref<8192x128xf32, #tpu.memory_space<vmem>>, vector<1024x64xf32>,
    %slice3A_501 = vector.extract_strided_slice %get3A_1 {offsets = [0, 24576], sizes = [64, 1024], strides = [1, 1]} : vector<64x32768xf32> to vector<64x1024xf32>
    %dot_general3A_502 = arith.constant dense<0.000000e+00> : vector<1024x64xf32>
    %dot_general3A_503 = tpu.matmul %slice3A_501, %get3A_4, %dot_general3A_502 {dimension_numbers = #tpu.dot_dimension_numbers<[0], [0], [1], [1], [0, 1, 1, 1], [], []>, transpose_lhs_hint = true} : vector<64x1024xf32>, vector<64x64xf32>, vector<1024x64xf32> -> vector<1024x64xf32>
    %slice3A_504 = vector.extract_strided_slice %get3A_1 {offsets = [0, 25600], sizes = [64, 1024], strides = [1, 1]} : vector<64x32768xf32> to vector<64x1024xf32>
    %dot_general3A_505 = arith.constant dense<0.000000e+00> : vector<1024x64xf32>
    %dot_general3A_506 = tpu.matmul %slice3A_504, %get3A_4, %dot_general3A_505 {dimension_numbers = #tpu.dot_dimension_numbers<[0], [0], [1], [1], [0, 1, 1, 1], [], []>, transpose_lhs_hint = true} : vector<64x1024xf32>, vector<64x64xf32>, vector<1024x64xf32> -> vector<1024x64xf32>
    %slice3A_507 = vector.extract_strided_slice %get3A_1 {offsets = [0, 26624], sizes = [64, 1024], strides = [1, 1]} : vector<64x32768xf32> to vector<64x1024xf32>
    %dot_general3A_508 = arith.constant dense<0.000000e+00> : vector<1024x64xf32>
    %dot_general3A_509 = tpu.matmul %slice3A_507, %get3A_4, %dot_general3A_508 {dimension_numbers = #tpu.dot_dimension_numbers<[0], [0], [1], [1], [0, 1, 1, 1], [], []>, transpose_lhs_hint = true} : vector<64x1024xf32>, vector<64x64xf32>, vector<1024x64xf32> -> vector<1024x64xf32>
    %slice3A_510 = vector.extract_strided_slice %get3A_1 {offsets = [0, 27648], sizes = [64, 1024], strides = [1, 1]} : vector<64x32768xf32> to vector<64x1024xf32>
    %dot_general3A_511 = arith.constant dense<0.000000e+00> : vector<1024x64xf32>
    %dot_general3A_512 = tpu.matmul %slice3A_510, %get3A_4, %dot_general3A_511 {dimension_numbers = #tpu.dot_dimension_numbers<[0], [0], [1], [1], [0, 1, 1, 1], [], []>, transpose_lhs_hint = true} : vector<64x1024xf32>, vector<64x64xf32>, vector<1024x64xf32> -> vector<1024x64xf32>
    %bitcast_convert_type3A_513 = tpu.bitcast %dot_general3A_503 : vector<1024x64xf32> -> vector<1024x64xi32>
    %bitcast_convert_type3A_514 = tpu.bitcast %dot_general3A_506 : vector<1024x64xf32> -> vector<1024x64xi32>
    %add3A_515 = arith.constant 32767 : i32
    %add3A_516 = vector.broadcast %add3A_515 : i32 to vector<1024x64xi32>
    %add3A_517 = arith.addi %bitcast_convert_type3A_513, %add3A_516 : vector<1024x64xi32>
    %shift_right_arithmetic3A_518 = arith.constant 16 : i32
    %shift_right_arithmetic3A_519 = vector.broadcast %shift_right_arithmetic3A_518 : i32 to vector<1024x64xi32>
    %shift_right_arithmetic3A_520 = arith.shrsi %bitcast_convert_type3A_513, %shift_right_arithmetic3A_519 : vector<1024x64xi32>
    %and3A_521 = arith.constant 1 : i32
    %and3A_522 = vector.broadcast %and3A_521 : i32 to vector<1024x64xi32>
    %and3A_523 = arith.andi %shift_right_arithmetic3A_520, %and3A_522 : vector<1024x64xi32>
    %add3A_524 = arith.addi %add3A_517, %and3A_523 : vector<1024x64xi32>
    %add3A_525 = arith.constant 32767 : i32
    %add3A_526 = vector.broadcast %add3A_525 : i32 to vector<1024x64xi32>
    %add3A_527 = arith.addi %bitcast_convert_type3A_514, %add3A_526 : vector<1024x64xi32>
    %shift_right_arithmetic3A_528 = arith.constant 16 : i32
    %shift_right_arithmetic3A_529 = vector.broadcast %shift_right_arithmetic3A_528 : i32 to vector<1024x64xi32>
    %shift_right_arithmetic3A_530 = arith.shrsi %bitcast_convert_type3A_514, %shift_right_arithmetic3A_529 : vector<1024x64xi32>
    %and3A_531 = arith.constant 1 : i32
    %and3A_532 = vector.broadcast %and3A_531 : i32 to vector<1024x64xi32>
    %and3A_533 = arith.andi %shift_right_arithmetic3A_530, %and3A_532 : vector<1024x64xi32>
    %add3A_534 = arith.addi %add3A_527, %and3A_533 : vector<1024x64xi32>
    %and3A_535 = arith.constant -65536 : i32
    %and3A_536 = vector.broadcast %and3A_535 : i32 to vector<1024x64xi32>
    %and3A_537 = arith.andi %add3A_524, %and3A_536 : vector<1024x64xi32>
    %shift_right_arithmetic3A_538 = arith.constant 16 : i32
    %shift_right_arithmetic3A_539 = vector.broadcast %shift_right_arithmetic3A_538 : i32 to vector<1024x64xi32>
    %shift_right_arithmetic3A_540 = arith.shrsi %add3A_534, %shift_right_arithmetic3A_539 : vector<1024x64xi32>
    %and3A_541 = arith.constant 65535 : i32
    %and3A_542 = vector.broadcast %and3A_541 : i32 to vector<1024x64xi32>
    %and3A_543 = arith.andi %shift_right_arithmetic3A_540, %and3A_542 : vector<1024x64xi32>
    %or3A_544 = arith.ori %and3A_537, %and3A_543 : vector<1024x64xi32>
    %bitcast_convert_type3A_545 = tpu.bitcast %or3A_544 : vector<1024x64xi32> -> vector<1024x64xf32>
    %swap3A_546 = arith.constant 6144 : index
    %swap3A_547 = arith.constant 0 : index
    %swap3A_548 = vector.load %arg3[%swap3A_546, %swap3A_547] : memref<8192x128xf32, #tpu.memory_space<vmem>>, vector<1024x64xf32>
    tpu.vector_store %arg3[%swap3A_546, %swap3A_547], %bitcast_convert_type3A_545 {strides = array<i32>} : memref<8192x128xf32, #tpu.memory_space<vmem>>, vector<1024x64xf32>,
    %bitcast_convert_type3A_549 = tpu.bitcast %dot_general3A_509 : vector<1024x64xf32> -> vector<1024x64xi32>
    %bitcast_convert_type3A_550 = tpu.bitcast %dot_general3A_512 : vector<1024x64xf32> -> vector<1024x64xi32>
    %add3A_551 = arith.constant 32767 : i32
    %add3A_552 = vector.broadcast %add3A_551 : i32 to vector<1024x64xi32>
    %add3A_553 = arith.addi %bitcast_convert_type3A_549, %add3A_552 : vector<1024x64xi32>
    %shift_right_arithmetic3A_554 = arith.constant 16 : i32
    %shift_right_arithmetic3A_555 = vector.broadcast %shift_right_arithmetic3A_554 : i32 to vector<1024x64xi32>
    %shift_right_arithmetic3A_556 = arith.shrsi %bitcast_convert_type3A_549, %shift_right_arithmetic3A_555 : vector<1024x64xi32>
    %and3A_557 = arith.constant 1 : i32
    %and3A_558 = vector.broadcast %and3A_557 : i32 to vector<1024x64xi32>
    %and3A_559 = arith.andi %shift_right_arithmetic3A_556, %and3A_558 : vector<1024x64xi32>
    %add3A_560 = arith.addi %add3A_553, %and3A_559 : vector<1024x64xi32>
    %add3A_561 = arith.constant 32767 : i32
    %add3A_562 = vector.broadcast %add3A_561 : i32 to vector<1024x64xi32>
    %add3A_563 = arith.addi %bitcast_convert_type3A_550, %add3A_562 : vector<1024x64xi32>
    %shift_right_arithmetic3A_564 = arith.constant 16 : i32
    %shift_right_arithmetic3A_565 = vector.broadcast %shift_right_arithmetic3A_564 : i32 to vector<1024x64xi32>
    %shift_right_arithmetic3A_566 = arith.shrsi %bitcast_convert_type3A_550, %shift_right_arithmetic3A_565 : vector<1024x64xi32>
    %and3A_567 = arith.constant 1 : i32
    %and3A_568 = vector.broadcast %and3A_567 : i32 to vector<1024x64xi32>
    %and3A_569 = arith.andi %shift_right_arithmetic3A_566, %and3A_568 : vector<1024x64xi32>
    %add3A_570 = arith.addi %add3A_563, %and3A_569 : vector<1024x64xi32>
    %and3A_571 = arith.constant -65536 : i32
    %and3A_572 = vector.broadcast %and3A_571 : i32 to vector<1024x64xi32>
    %and3A_573 = arith.andi %add3A_560, %and3A_572 : vector<1024x64xi32>
    %shift_right_arithmetic3A_574 = arith.constant 16 : i32
    %shift_right_arithmetic3A_575 = vector.broadcast %shift_right_arithmetic3A_574 : i32 to vector<1024x64xi32>
    %shift_right_arithmetic3A_576 = arith.shrsi %add3A_570, %shift_right_arithmetic3A_575 : vector<1024x64xi32>
    %and3A_577 = arith.constant 65535 : i32
    %and3A_578 = vector.broadcast %and3A_577 : i32 to vector<1024x64xi32>
    %and3A_579 = arith.andi %shift_right_arithmetic3A_576, %and3A_578 : vector<1024x64xi32>
    %or3A_580 = arith.ori %and3A_573, %and3A_579 : vector<1024x64xi32>
    %bitcast_convert_type3A_581 = tpu.bitcast %or3A_580 : vector<1024x64xi32> -> vector<1024x64xf32>
    %swap3A_582 = arith.constant 6144 : index
    %swap3A_583 = arith.constant 64 : index
    %swap3A_584 = vector.load %arg3[%swap3A_582, %swap3A_583] : memref<8192x128xf32, #tpu.memory_space<vmem>>, vector<1024x64xf32>
    tpu.vector_store %arg3[%swap3A_582, %swap3A_583], %bitcast_convert_type3A_581 {strides = array<i32>} : memref<8192x128xf32, #tpu.memory_space<vmem>>, vector<1024x64xf32>,
    %slice3A_585 = vector.extract_strided_slice %get3A_1 {offsets = [0, 28672], sizes = [64, 1024], strides = [1, 1]} : vector<64x32768xf32> to vector<64x1024xf32>
    %dot_general3A_586 = arith.constant dense<0.000000e+00> : vector<1024x64xf32>
    %dot_general3A_587 = tpu.matmul %slice3A_585, %get3A_4, %dot_general3A_586 {dimension_numbers = #tpu.dot_dimension_numbers<[0], [0], [1], [1], [0, 1, 1, 1], [], []>, transpose_lhs_hint = true} : vector<64x1024xf32>, vector<64x64xf32>, vector<1024x64xf32> -> vector<1024x64xf32>
    %slice3A_588 = vector.extract_strided_slice %get3A_1 {offsets = [0, 29696], sizes = [64, 1024], strides = [1, 1]} : vector<64x32768xf32> to vector<64x1024xf32>
    %dot_general3A_589 = arith.constant dense<0.000000e+00> : vector<1024x64xf32>
    %dot_general3A_590 = tpu.matmul %slice3A_588, %get3A_4, %dot_general3A_589 {dimension_numbers = #tpu.dot_dimension_numbers<[0], [0], [1], [1], [0, 1, 1, 1], [], []>, transpose_lhs_hint = true} : vector<64x1024xf32>, vector<64x64xf32>, vector<1024x64xf32> -> vector<1024x64xf32>
    %slice3A_591 = vector.extract_strided_slice %get3A_1 {offsets = [0, 30720], sizes = [64, 1024], strides = [1, 1]} : vector<64x32768xf32> to vector<64x1024xf32>
    %dot_general3A_592 = arith.constant dense<0.000000e+00> : vector<1024x64xf32>
    %dot_general3A_593 = tpu.matmul %slice3A_591, %get3A_4, %dot_general3A_592 {dimension_numbers = #tpu.dot_dimension_numbers<[0], [0], [1], [1], [0, 1, 1, 1], [], []>, transpose_lhs_hint = true} : vector<64x1024xf32>, vector<64x64xf32>, vector<1024x64xf32> -> vector<1024x64xf32>
    %slice3A_594 = vector.extract_strided_slice %get3A_1 {offsets = [0, 31744], sizes = [64, 1024], strides = [1, 1]} : vector<64x32768xf32> to vector<64x1024xf32>
    %dot_general3A_595 = arith.constant dense<0.000000e+00> : vector<1024x64xf32>
    %dot_general3A_596 = tpu.matmul %slice3A_594, %get3A_4, %dot_general3A_595 {dimension_numbers = #tpu.dot_dimension_numbers<[0], [0], [1], [1], [0, 1, 1, 1], [], []>, transpose_lhs_hint = true} : vector<64x1024xf32>, vector<64x64xf32>, vector<1024x64xf32> -> vector<1024x64xf32>
    %bitcast_convert_type3A_597 = tpu.bitcast %dot_general3A_587 : vector<1024x64xf32> -> vector<1024x64xi32>
    %bitcast_convert_type3A_598 = tpu.bitcast %dot_general3A_590 : vector<1024x64xf32> -> vector<1024x64xi32>
    %add3A_599 = arith.constant 32767 : i32
    %add3A_600 = vector.broadcast %add3A_599 : i32 to vector<1024x64xi32>
    %add3A_601 = arith.addi %bitcast_convert_type3A_597, %add3A_600 : vector<1024x64xi32>
    %shift_right_arithmetic3A_602 = arith.constant 16 : i32
    %shift_right_arithmetic3A_603 = vector.broadcast %shift_right_arithmetic3A_602 : i32 to vector<1024x64xi32>
    %shift_right_arithmetic3A_604 = arith.shrsi %bitcast_convert_type3A_597, %shift_right_arithmetic3A_603 : vector<1024x64xi32>
    %and3A_605 = arith.constant 1 : i32
    %and3A_606 = vector.broadcast %and3A_605 : i32 to vector<1024x64xi32>
    %and3A_607 = arith.andi %shift_right_arithmetic3A_604, %and3A_606 : vector<1024x64xi32>
    %add3A_608 = arith.addi %add3A_601, %and3A_607 : vector<1024x64xi32>
    %add3A_609 = arith.constant 32767 : i32
    %add3A_610 = vector.broadcast %add3A_609 : i32 to vector<1024x64xi32>
    %add3A_611 = arith.addi %bitcast_convert_type3A_598, %add3A_610 : vector<1024x64xi32>
    %shift_right_arithmetic3A_612 = arith.constant 16 : i32
    %shift_right_arithmetic3A_613 = vector.broadcast %shift_right_arithmetic3A_612 : i32 to vector<1024x64xi32>
    %shift_right_arithmetic3A_614 = arith.shrsi %bitcast_convert_type3A_598, %shift_right_arithmetic3A_613 : vector<1024x64xi32>
    %and3A_615 = arith.constant 1 : i32
    %and3A_616 = vector.broadcast %and3A_615 : i32 to vector<1024x64xi32>
    %and3A_617 = arith.andi %shift_right_arithmetic3A_614, %and3A_616 : vector<1024x64xi32>
    %add3A_618 = arith.addi %add3A_611, %and3A_617 : vector<1024x64xi32>
    %and3A_619 = arith.constant -65536 : i32
    %and3A_620 = vector.broadcast %and3A_619 : i32 to vector<1024x64xi32>
    %and3A_621 = arith.andi %add3A_608, %and3A_620 : vector<1024x64xi32>
    %shift_right_arithmetic3A_622 = arith.constant 16 : i32
    %shift_right_arithmetic3A_623 = vector.broadcast %shift_right_arithmetic3A_622 : i32 to vector<1024x64xi32>
    %shift_right_arithmetic3A_624 = arith.shrsi %add3A_618, %shift_right_arithmetic3A_623 : vector<1024x64xi32>
    %and3A_625 = arith.constant 65535 : i32
    %and3A_626 = vector.broadcast %and3A_625 : i32 to vector<1024x64xi32>
    %and3A_627 = arith.andi %shift_right_arithmetic3A_624, %and3A_626 : vector<1024x64xi32>
    %or3A_628 = arith.ori %and3A_621, %and3A_627 : vector<1024x64xi32>
    %bitcast_convert_type3A_629 = tpu.bitcast %or3A_628 : vector<1024x64xi32> -> vector<1024x64xf32>
    %swap3A_630 = arith.constant 7168 : index
    %swap3A_631 = arith.constant 0 : index
    %swap3A_632 = vector.load %arg3[%swap3A_630, %swap3A_631] : memref<8192x128xf32, #tpu.memory_space<vmem>>, vector<1024x64xf32>
    tpu.vector_store %arg3[%swap3A_630, %swap3A_631], %bitcast_convert_type3A_629 {strides = array<i32>} : memref<8192x128xf32, #tpu.memory_space<vmem>>, vector<1024x64xf32>,
    %bitcast_convert_type3A_633 = tpu.bitcast %dot_general3A_593 : vector<1024x64xf32> -> vector<1024x64xi32>
    %bitcast_convert_type3A_634 = tpu.bitcast %dot_general3A_596 : vector<1024x64xf32> -> vector<1024x64xi32>
    %add3A_635 = arith.constant 32767 : i32
    %add3A_636 = vector.broadcast %add3A_635 : i32 to vector<1024x64xi32>
    %add3A_637 = arith.addi %bitcast_convert_type3A_633, %add3A_636 : vector<1024x64xi32>
    %shift_right_arithmetic3A_638 = arith.constant 16 : i32
    %shift_right_arithmetic3A_639 = vector.broadcast %shift_right_arithmetic3A_638 : i32 to vector<1024x64xi32>
    %shift_right_arithmetic3A_640 = arith.shrsi %bitcast_convert_type3A_633, %shift_right_arithmetic3A_639 : vector<1024x64xi32>
    %and3A_641 = arith.constant 1 : i32
    %and3A_642 = vector.broadcast %and3A_641 : i32 to vector<1024x64xi32>
    %and3A_643 = arith.andi %shift_right_arithmetic3A_640, %and3A_642 : vector<1024x64xi32>
    %add3A_644 = arith.addi %add3A_637, %and3A_643 : vector<1024x64xi32>
    %add3A_645 = arith.constant 32767 : i32
    %add3A_646 = vector.broadcast %add3A_645 : i32 to vector<1024x64xi32>
    %add3A_647 = arith.addi %bitcast_convert_type3A_634, %add3A_646 : vector<1024x64xi32>
    %shift_right_arithmetic3A_648 = arith.constant 16 : i32
    %shift_right_arithmetic3A_649 = vector.broadcast %shift_right_arithmetic3A_648 : i32 to vector<1024x64xi32>
    %shift_right_arithmetic3A_650 = arith.shrsi %bitcast_convert_type3A_634, %shift_right_arithmetic3A_649 : vector<1024x64xi32>
    %and3A_651 = arith.constant 1 : i32
    %and3A_652 = vector.broadcast %and3A_651 : i32 to vector<1024x64xi32>
    %and3A_653 = arith.andi %shift_right_arithmetic3A_650, %and3A_652 : vector<1024x64xi32>
    %add3A_654 = arith.addi %add3A_647, %and3A_653 : vector<1024x64xi32>
    %and3A_655 = arith.constant -65536 : i32
    %and3A_656 = vector.broadcast %and3A_655 : i32 to vector<1024x64xi32>
    %and3A_657 = arith.andi %add3A_644, %and3A_656 : vector<1024x64xi32>
    %shift_right_arithmetic3A_658 = arith.constant 16 : i32
    %shift_right_arithmetic3A_659 = vector.broadcast %shift_right_arithmetic3A_658 : i32 to vector<1024x64xi32>
    %shift_right_arithmetic3A_660 = arith.shrsi %add3A_654, %shift_right_arithmetic3A_659 : vector<1024x64xi32>
    %and3A_661 = arith.constant 65535 : i32
    %and3A_662 = vector.broadcast %and3A_661 : i32 to vector<1024x64xi32>
    %and3A_663 = arith.andi %shift_right_arithmetic3A_660, %and3A_662 : vector<1024x64xi32>
    %or3A_664 = arith.ori %and3A_657, %and3A_663 : vector<1024x64xi32>
    %bitcast_convert_type3A_665 = tpu.bitcast %or3A_664 : vector<1024x64xi32> -> vector<1024x64xf32>
    %swap3A_666 = arith.constant 7168 : index
    %swap3A_667 = arith.constant 64 : index
    %swap3A_668 = vector.load %arg3[%swap3A_666, %swap3A_667] : memref<8192x128xf32, #tpu.memory_space<vmem>>, vector<1024x64xf32>
    tpu.vector_store %arg3[%swap3A_666, %swap3A_667], %bitcast_convert_type3A_665 {strides = array<i32>} : memref<8192x128xf32, #tpu.memory_space<vmem>>, vector<1024x64xf32>,
    return
  }
  func.func @transform_0(%arg0: i32) -> (i32, i32) {
    %c0_i32 = arith.constant 0 : i32
    %c0_i32_0 = arith.constant 0 : i32
    return %c0_i32, %arg0 : i32, i32
  }
  func.func @transform_1(%arg0: i32) -> (i32, i32) {
    %c0_i32 = arith.constant 0 : i32
    %c0_i32_0 = arith.constant 0 : i32
    %c0_i32_1 = arith.constant 0 : i32
    return %c0_i32, %c0_i32_0 : i32, i32
  }
  func.func @transform_2(%arg0: i32) -> (i32, i32) {
    %c0_i32 = arith.constant 0 : i32
    %c0_i32_0 = arith.constant 0 : i32
    return %arg0, %c0_i32 : i32, i32
  }
}

module attributes {stable_mosaic.version = 14 : i64} {
  func.func @body(%arg0: i32, %arg1: memref<64x16384xf32, #tpu.memory_space<vmem>>, %arg2: memref<1x16xi32, #tpu.memory_space<vmem>>, %arg3: memref<64x16xf32, #tpu.memory_space<vmem>>) attributes {dimension_semantics = [#tpu.dimension_semantics<arbitrary>], iteration_bounds = array<i64: 7>, scalar_prefetch = 0 : i64, scratch_operands = 0 : i64, tpu.core_type = #tpu.core_type<tc>, window_params = [{transform_indices = @transform_0, window_bounds = array<i64: 64, 16384>}, {pipeline_mode = #tpu.pipeline_mode<synchronous>, transform_indices = @transform_1, window_bounds = array<i64: 1, 16>}, {pipeline_mode = #tpu.pipeline_mode<synchronous>, transform_indices = @transform_2, window_bounds = array<i64: 64, 16>}]} {
    %eq3A = arith.constant 0 : i32
    %eq3A_0 = arith.cmpi eq, %arg0, %eq3A : i32
    %convert_element_type3A = arith.extui %eq3A_0 : i1 to i32
    %cond3A = arith.constant 0 : i32
    %cond3A_1 = arith.cmpi ne, %convert_element_type3A, %cond3A : i32
    scf.if %cond3A_1 {
      %broadcast_in_dim3A_29 = arith.constant 0.000000e+00 : f32
      %broadcast_in_dim3A_30 = vector.broadcast %broadcast_in_dim3A_29 : f32 to vector<64x16xf32>
      %swap3A_31 = arith.constant 0 : index
      %swap3A_32 = arith.constant 0 : index
      %swap3A_33 = vector.load %arg3[%swap3A_31, %swap3A_32] : memref<64x16xf32, #tpu.memory_space<vmem>>, vector<64x16xf32>
      tpu.vector_store %arg3[%swap3A_31, %swap3A_32], %broadcast_in_dim3A_30 {strides = array<i32>} : memref<64x16xf32, #tpu.memory_space<vmem>>, vector<64x16xf32>,
    } else {
    }
    %iota3A = tpu.iota {dimensions = array<i32: 0>} : vector<16384x16xi32>
    %mul3A = arith.constant 16384 : i32
    %mul3A_2 = arith.muli %arg0, %mul3A : i32
    %add3A = vector.broadcast %mul3A_2 : i32 to vector<16384x16xi32>
    %add3A_3 = arith.addi %iota3A, %add3A : vector<16384x16xi32>
    %get3A = arith.constant 0 : index
    %get3A_4 = arith.constant 0 : index
    %get3A_5 = vector.load %arg2[%get3A, %get3A_4] : memref<1x16xi32, #tpu.memory_space<vmem>>, vector<1x16xi32>
    %eq3A_6 = vector.broadcast %get3A_5 : vector<1x16xi32> to vector<16384x16xi32>
    %eq3A_7 = arith.cmpi eq, %add3A_3, %eq3A_6 : vector<16384x16xi32>
    %convert_element_type3A_8 = arith.extui %eq3A_7 : vector<16384x16xi1> to vector<16384x16xi32>
    %convert_element_type3A_9 = arith.sitofp %convert_element_type3A_8 : vector<16384x16xi32> to vector<16384x16xf32>
    %iota3A_10 = tpu.iota {dimensions = array<i32: 1>} : vector<1x16384xi32>
    %mul3A_11 = arith.constant 16384 : i32
    %mul3A_12 = arith.muli %arg0, %mul3A_11 : i32
    %add3A_13 = vector.broadcast %mul3A_12 : i32 to vector<1x16384xi32>
    %add3A_14 = arith.addi %iota3A_10, %add3A_13 : vector<1x16384xi32>
    %lt3A = arith.constant 100000 : i32
    %lt3A_15 = vector.broadcast %lt3A : i32 to vector<1x16384xi32>
    %lt3A_16 = arith.cmpi slt, %add3A_14, %lt3A_15 : vector<1x16384xi32>
    %get3A_17 = arith.constant 0 : index
    %get3A_18 = arith.constant 0 : index
    %get3A_19 = vector.load %arg1[%get3A_17, %get3A_18] : memref<64x16384xf32, #tpu.memory_space<vmem>>, vector<64x16384xf32>
    %jit3A = arith.constant 0.000000e+00 : f32
    %broadcast_in_dim3A = vector.shape_cast %lt3A_16 : vector<1x16384xi1> to vector<1x16384xi1>
    %broadcast_in_dim3A_20 = vector.broadcast %broadcast_in_dim3A : vector<1x16384xi1> to vector<64x16384xi1>
    %broadcast_in_dim3A_21 = vector.broadcast %jit3A : f32 to vector<64x16384xf32>
    %select_n3A = arith.select %broadcast_in_dim3A_20, %get3A_19, %broadcast_in_dim3A_21 : vector<64x16384xi1>, vector<64x16384xf32>
    %get3A_22 = arith.constant 0 : index
    %get3A_23 = arith.constant 0 : index
    %get3A_24 = vector.load %arg3[%get3A_22, %get3A_23] : memref<64x16xf32, #tpu.memory_space<vmem>>, vector<64x16xf32>
    %dot_general3A = arith.constant dense<0.000000e+00> : vector<64x16xf32>
    %dot_general3A_25 = tpu.matmul %select_n3A, %convert_element_type3A_9, %dot_general3A {dimension_numbers = #tpu.dot_dimension_numbers<[1], [0], [0], [1], [0, 0, 1, 1], [], []>, transpose_lhs_hint = false} : vector<64x16384xf32>, vector<16384x16xf32>, vector<64x16xf32> -> vector<64x16xf32>
    %add3A_26 = arith.addf %get3A_24, %dot_general3A_25 : vector<64x16xf32>
    %swap3A = arith.constant 0 : index
    %swap3A_27 = arith.constant 0 : index
    %swap3A_28 = vector.load %arg3[%swap3A, %swap3A_27] : memref<64x16xf32, #tpu.memory_space<vmem>>, vector<64x16xf32>
    tpu.vector_store %arg3[%swap3A, %swap3A_27], %add3A_26 {strides = array<i32>} : memref<64x16xf32, #tpu.memory_space<vmem>>, vector<64x16xf32>,
    return
  }
  func.func @transform_0(%arg0: i32) -> (i32, i32) {
    %c0_i32 = arith.constant 0 : i32
    %c0_i32_0 = arith.constant 0 : i32
    return %c0_i32, %arg0 : i32, i32
  }
  func.func @transform_1(%arg0: i32) -> (i32, i32) {
    %c0_i32 = arith.constant 0 : i32
    %c0_i32_0 = arith.constant 0 : i32
    %c0_i32_1 = arith.constant 0 : i32
    return %c0_i32, %c0_i32_0 : i32, i32
  }
  func.func @transform_2(%arg0: i32) -> (i32, i32) {
    %c0_i32 = arith.constant 0 : i32
    %c0_i32_0 = arith.constant 0 : i32
    %c0_i32_1 = arith.constant 0 : i32
    return %c0_i32, %c0_i32_0 : i32, i32
  }
}

module attributes {stable_mosaic.version = 14 : i64} {
  func.func @body(%arg0: i32, %arg1: memref<2048x128xf32, #tpu.memory_space<vmem>>, %arg2: memref<1x2048xi32, #tpu.memory_space<vmem>>, %arg3: memref<1x2048xi32, #tpu.memory_space<vmem>>, %arg4: memref<16x1xi32, #tpu.memory_space<vmem>>, %arg5: memref<16x1xi32, #tpu.memory_space<vmem>>, %arg6: memref<64x16xf32, #tpu.memory_space<vmem>>, %arg7: memref<8x64xf32, #tpu.memory_space<vmem>>, %arg8: memref<64x64xf32, #tpu.memory_space<vmem>>, %arg9: memref<64x64xf32, #tpu.memory_space<vmem>>, %arg10: memref<64x1xf32, #tpu.memory_space<vmem>>, %arg11: memref<64x64xf32, #tpu.memory_space<vmem>>, %arg12: memref<64x1xf32, #tpu.memory_space<vmem>>, %arg13: memref<64x64xf32, #tpu.memory_space<vmem>>, %arg14: memref<64x64xf32, #tpu.memory_space<vmem>>, %arg15: memref<64x1xf32, #tpu.memory_space<vmem>>, %arg16: memref<64x64xf32, #tpu.memory_space<vmem>>, %arg17: memref<64x1xf32, #tpu.memory_space<vmem>>, %arg18: memref<1x64xf32, #tpu.memory_space<vmem>>, %arg19: memref<1x1xf32, #tpu.memory_space<vmem>>, %arg20: memref<16x64xf32, #tpu.memory_space<vmem>>, %arg21: memref<16x1xf32, #tpu.memory_space<vmem>>, %arg22: memref<16x1xf32, #tpu.memory_space<vmem>>) attributes {dimension_semantics = [#tpu.dimension_semantics<arbitrary>], iteration_bounds = array<i64: 16>, scalar_prefetch = 0 : i64, scratch_operands = 2 : i64, tpu.core_type = #tpu.core_type<tc>, window_params = [{transform_indices = @transform_0, window_bounds = array<i64: 2048, 128>}, {transform_indices = @transform_1, window_bounds = array<i64: 1, 2048>}, {transform_indices = @transform_2, window_bounds = array<i64: 1, 2048>}, {pipeline_mode = #tpu.pipeline_mode<synchronous>, transform_indices = @transform_3, window_bounds = array<i64: 16, 1>}, {pipeline_mode = #tpu.pipeline_mode<synchronous>, transform_indices = @transform_4, window_bounds = array<i64: 16, 1>}, {pipeline_mode = #tpu.pipeline_mode<synchronous>, transform_indices = @transform_5, window_bounds = array<i64: 64, 16>}, {pipeline_mode = #tpu.pipeline_mode<synchronous>, transform_indices = @transform_6, window_bounds = array<i64: 8, 64>}, {pipeline_mode = #tpu.pipeline_mode<synchronous>, transform_indices = @transform_7, window_bounds = array<i64: 64, 64>}, {pipeline_mode = #tpu.pipeline_mode<synchronous>, transform_indices = @transform_8, window_bounds = array<i64: 64, 64>}, {pipeline_mode = #tpu.pipeline_mode<synchronous>, transform_indices = @transform_9, window_bounds = array<i64: 64, 1>}, {pipeline_mode = #tpu.pipeline_mode<synchronous>, transform_indices = @transform_10, window_bounds = array<i64: 64, 64>}, {pipeline_mode = #tpu.pipeline_mode<synchronous>, transform_indices = @transform_11, window_bounds = array<i64: 64, 1>}, {pipeline_mode = #tpu.pipeline_mode<synchronous>, transform_indices = @transform_12, window_bounds = array<i64: 64, 64>}, {pipeline_mode = #tpu.pipeline_mode<synchronous>, transform_indices = @transform_13, window_bounds = array<i64: 64, 64>}, {pipeline_mode = #tpu.pipeline_mode<synchronous>, transform_indices = @transform_14, window_bounds = array<i64: 64, 1>}, {pipeline_mode = #tpu.pipeline_mode<synchronous>, transform_indices = @transform_15, window_bounds = array<i64: 64, 64>}, {pipeline_mode = #tpu.pipeline_mode<synchronous>, transform_indices = @transform_16, window_bounds = array<i64: 64, 1>}, {pipeline_mode = #tpu.pipeline_mode<synchronous>, transform_indices = @transform_17, window_bounds = array<i64: 1, 64>}, {pipeline_mode = #tpu.pipeline_mode<synchronous>, transform_indices = @transform_18, window_bounds = array<i64: 1, 1>}, {pipeline_mode = #tpu.pipeline_mode<synchronous>, transform_indices = @transform_19, window_bounds = array<i64: 16, 64>}]} {
    %eq3A = arith.constant 0 : i32
    %eq3A_0 = arith.cmpi eq, %arg0, %eq3A : i32
    %convert_element_type3A = arith.extui %eq3A_0 : i1 to i32
    %cond3A = arith.constant 0 : i32
    %cond3A_1 = arith.cmpi ne, %convert_element_type3A, %cond3A : i32
    scf.if %cond3A_1 {
      %broadcast_in_dim3A_194 = arith.constant -1.000000e+30 : f32
      %broadcast_in_dim3A_195 = vector.broadcast %broadcast_in_dim3A_194 : f32 to vector<16x1xf32>
      %swap3A_196 = arith.constant 0 : index
      %swap3A_197 = arith.constant 0 : index
      %swap3A_198 = vector.load %arg21[%swap3A_196, %swap3A_197] : memref<16x1xf32, #tpu.memory_space<vmem>>, vector<16x1xf32>
      tpu.vector_store %arg21[%swap3A_196, %swap3A_197], %broadcast_in_dim3A_195 {strides = array<i32>} : memref<16x1xf32, #tpu.memory_space<vmem>>, vector<16x1xf32>,
      %broadcast_in_dim3A_199 = arith.constant 0.000000e+00 : f32
      %broadcast_in_dim3A_200 = vector.broadcast %broadcast_in_dim3A_199 : f32 to vector<16x1xf32>
      %swap3A_201 = arith.constant 0 : index
      %swap3A_202 = arith.constant 0 : index
      %swap3A_203 = vector.load %arg22[%swap3A_201, %swap3A_202] : memref<16x1xf32, #tpu.memory_space<vmem>>, vector<16x1xf32>
      tpu.vector_store %arg22[%swap3A_201, %swap3A_202], %broadcast_in_dim3A_200 {strides = array<i32>} : memref<16x1xf32, #tpu.memory_space<vmem>>, vector<16x1xf32>,
      %broadcast_in_dim3A_204 = arith.constant 0.000000e+00 : f32
      %broadcast_in_dim3A_205 = vector.broadcast %broadcast_in_dim3A_204 : f32 to vector<16x64xf32>
      %swap3A_206 = arith.constant 0 : index
      %swap3A_207 = arith.constant 0 : index
      %swap3A_208 = vector.load %arg20[%swap3A_206, %swap3A_207] : memref<16x64xf32, #tpu.memory_space<vmem>>, vector<16x64xf32>
      tpu.vector_store %arg20[%swap3A_206, %swap3A_207], %broadcast_in_dim3A_205 {strides = array<i32>} : memref<16x64xf32, #tpu.memory_space<vmem>>, vector<16x64xf32>,
    } else {
    }
    %get3A = arith.constant 0 : index
    %get3A_2 = arith.constant 0 : index
    %get3A_3 = vector.load %arg1[%get3A, %get3A_2] : memref<2048x128xf32, #tpu.memory_space<vmem>>, vector<2048x128xf32>
    %bitcast_convert_type3A = tpu.bitcast %get3A_3 : vector<2048x128xf32> -> vector<2048x128xi32>
    %and3A = arith.constant -65536 : i32
    %and3A_4 = vector.broadcast %and3A : i32 to vector<2048x128xi32>
    %and3A_5 = arith.andi %bitcast_convert_type3A, %and3A_4 : vector<2048x128xi32>
    %bitcast_convert_type3A_6 = tpu.bitcast %and3A_5 : vector<2048x128xi32> -> vector<2048x128xf32>
    %shift_left3A = arith.constant 16 : i32
    %shift_left3A_7 = vector.broadcast %shift_left3A : i32 to vector<2048x128xi32>
    %shift_left3A_8 = arith.shli %bitcast_convert_type3A, %shift_left3A_7 : vector<2048x128xi32>
    %bitcast_convert_type3A_9 = tpu.bitcast %shift_left3A_8 : vector<2048x128xi32> -> vector<2048x128xf32>
    %slice3A = vector.extract_strided_slice %bitcast_convert_type3A_6 {offsets = [0, 0], sizes = [2048, 64], strides = [1, 1]} : vector<2048x128xf32> to vector<2048x64xf32>
    %slice3A_10 = vector.extract_strided_slice %bitcast_convert_type3A_9 {offsets = [0, 0], sizes = [2048, 64], strides = [1, 1]} : vector<2048x128xf32> to vector<2048x64xf32>
    %slice3A_11 = vector.extract_strided_slice %bitcast_convert_type3A_6 {offsets = [0, 64], sizes = [2048, 64], strides = [1, 1]} : vector<2048x128xf32> to vector<2048x64xf32>
    %slice3A_12 = vector.extract_strided_slice %bitcast_convert_type3A_9 {offsets = [0, 64], sizes = [2048, 64], strides = [1, 1]} : vector<2048x128xf32> to vector<2048x64xf32>
    %get3A_13 = arith.constant 0 : index
    %get3A_14 = arith.constant 0 : index
    %get3A_15 = vector.load %arg8[%get3A_13, %get3A_14] : memref<64x64xf32, #tpu.memory_space<vmem>>, vector<64x64xf32>
    %dot_general3A = arith.constant dense<0.000000e+00> : vector<64x2048xf32>
    %dot_general3A_16 = tpu.matmul %get3A_15, %slice3A, %dot_general3A {dimension_numbers = #tpu.dot_dimension_numbers<[1], [1], [0], [0], [0, 0, 1, 0], [], []>, transpose_lhs_hint = false} : vector<64x64xf32>, vector<2048x64xf32>, vector<64x2048xf32> -> vector<64x2048xf32>
    %get3A_17 = arith.constant 0 : index
    %get3A_18 = arith.constant 0 : index
    %get3A_19 = vector.load %arg8[%get3A_17, %get3A_18] : memref<64x64xf32, #tpu.memory_space<vmem>>, vector<64x64xf32>
    %dot_general3A_20 = arith.constant dense<0.000000e+00> : vector<64x2048xf32>
    %dot_general3A_21 = tpu.matmul %get3A_19, %slice3A_10, %dot_general3A_20 {dimension_numbers = #tpu.dot_dimension_numbers<[1], [1], [0], [0], [0, 0, 1, 0], [], []>, transpose_lhs_hint = false} : vector<64x64xf32>, vector<2048x64xf32>, vector<64x2048xf32> -> vector<64x2048xf32>
    %get3A_22 = arith.constant 0 : index
    %get3A_23 = arith.constant 0 : index
    %get3A_24 = vector.load %arg8[%get3A_22, %get3A_23] : memref<64x64xf32, #tpu.memory_space<vmem>>, vector<64x64xf32>
    %dot_general3A_25 = arith.constant dense<0.000000e+00> : vector<64x2048xf32>
    %dot_general3A_26 = tpu.matmul %get3A_24, %slice3A_11, %dot_general3A_25 {dimension_numbers = #tpu.dot_dimension_numbers<[1], [1], [0], [0], [0, 0, 1, 0], [], []>, transpose_lhs_hint = false} : vector<64x64xf32>, vector<2048x64xf32>, vector<64x2048xf32> -> vector<64x2048xf32>
    %get3A_27 = arith.constant 0 : index
    %get3A_28 = arith.constant 0 : index
    %get3A_29 = vector.load %arg8[%get3A_27, %get3A_28] : memref<64x64xf32, #tpu.memory_space<vmem>>, vector<64x64xf32>
    %dot_general3A_30 = arith.constant dense<0.000000e+00> : vector<64x2048xf32>
    %dot_general3A_31 = tpu.matmul %get3A_29, %slice3A_12, %dot_general3A_30 {dimension_numbers = #tpu.dot_dimension_numbers<[1], [1], [0], [0], [0, 0, 1, 0], [], []>, transpose_lhs_hint = false} : vector<64x64xf32>, vector<2048x64xf32>, vector<64x2048xf32> -> vector<64x2048xf32>
    %get3A_32 = arith.constant 0 : index
    %get3A_33 = arith.constant 0 : index
    %get3A_34 = vector.load %arg2[%get3A_32, %get3A_33] : memref<1x2048xi32, #tpu.memory_space<vmem>>, vector<1x2048xi32>
    %lt3A = arith.constant 2 : i32
    %lt3A_35 = vector.broadcast %lt3A : i32 to vector<1x2048xi32>
    %lt3A_36 = arith.cmpi slt, %get3A_34, %lt3A_35 : vector<1x2048xi32>
    %eq3A_37 = arith.constant 0 : i32
    %eq3A_38 = vector.broadcast %eq3A_37 : i32 to vector<1x2048xi32>
    %eq3A_39 = arith.cmpi eq, %get3A_34, %eq3A_38 : vector<1x2048xi32>
    %broadcast_in_dim3A = vector.shape_cast %eq3A_39 : vector<1x2048xi1> to vector<1x2048xi1>
    %broadcast_in_dim3A_40 = vector.broadcast %broadcast_in_dim3A : vector<1x2048xi1> to vector<64x2048xi1>
    %select_n3A = arith.select %broadcast_in_dim3A_40, %dot_general3A_16, %dot_general3A_21 : vector<64x2048xi1>, vector<64x2048xf32>
    %eq3A_41 = arith.constant 2 : i32
    %eq3A_42 = vector.broadcast %eq3A_41 : i32 to vector<1x2048xi32>
    %eq3A_43 = arith.cmpi eq, %get3A_34, %eq3A_42 : vector<1x2048xi32>
    %broadcast_in_dim3A_44 = vector.shape_cast %eq3A_43 : vector<1x2048xi1> to vector<1x2048xi1>
    %broadcast_in_dim3A_45 = vector.broadcast %broadcast_in_dim3A_44 : vector<1x2048xi1> to vector<64x2048xi1>
    %select_n3A_46 = arith.select %broadcast_in_dim3A_45, %dot_general3A_26, %dot_general3A_31 : vector<64x2048xi1>, vector<64x2048xf32>
    %broadcast_in_dim3A_47 = vector.shape_cast %lt3A_36 : vector<1x2048xi1> to vector<1x2048xi1>
    %broadcast_in_dim3A_48 = vector.broadcast %broadcast_in_dim3A_47 : vector<1x2048xi1> to vector<64x2048xi1>
    %select_n3A_49 = arith.select %broadcast_in_dim3A_48, %select_n3A, %select_n3A_46 : vector<64x2048xi1>, vector<64x2048xf32>
    %iota3A = tpu.iota {dimensions = array<i32: 0>} : vector<8x2048xi32>
    %get3A_50 = arith.constant 0 : index
    %get3A_51 = arith.constant 0 : index
    %get3A_52 = vector.load %arg3[%get3A_50, %get3A_51] : memref<1x2048xi32, #tpu.memory_space<vmem>>, vector<1x2048xi32>
    %eq3A_53 = vector.broadcast %get3A_52 : vector<1x2048xi32> to vector<8x2048xi32>
    %eq3A_54 = arith.cmpi eq, %iota3A, %eq3A_53 : vector<8x2048xi32>
    %convert_element_type3A_55 = arith.extui %eq3A_54 : vector<8x2048xi1> to vector<8x2048xi32>
    %convert_element_type3A_56 = arith.sitofp %convert_element_type3A_55 : vector<8x2048xi32> to vector<8x2048xf32>
    %get3A_57 = arith.constant 0 : index
    %get3A_58 = arith.constant 0 : index
    %get3A_59 = vector.load %arg9[%get3A_57, %get3A_58] : memref<64x64xf32, #tpu.memory_space<vmem>>, vector<64x64xf32>
    %get3A_60 = arith.constant 0 : index
    %get3A_61 = arith.constant 0 : index
    %get3A_62 = vector.load %arg7[%get3A_60, %get3A_61] : memref<8x64xf32, #tpu.memory_space<vmem>>, vector<8x64xf32>
    %dot_general3A_63 = arith.constant dense<0.000000e+00> : vector<64x8xf32>
    %dot_general3A_64 = tpu.matmul %get3A_59, %get3A_62, %dot_general3A_63 {dimension_numbers = #tpu.dot_dimension_numbers<[1], [1], [0], [0], [0, 0, 1, 0], [], []>, transpose_lhs_hint = false} : vector<64x64xf32>, vector<8x64xf32>, vector<64x8xf32> -> vector<64x8xf32>
    %dot_general3A_65 = arith.constant dense<0.000000e+00> : vector<64x2048xf32>
    %dot_general3A_66 = tpu.matmul %dot_general3A_64, %convert_element_type3A_56, %dot_general3A_65 {dimension_numbers = #tpu.dot_dimension_numbers<[1], [0], [0], [1], [0, 0, 1, 1], [], []>, transpose_lhs_hint = false} : vector<64x8xf32>, vector<8x2048xf32>, vector<64x2048xf32> -> vector<64x2048xf32>
    %add3A = arith.addf %select_n3A_49, %dot_general3A_66 : vector<64x2048xf32>
    %get3A_67 = arith.constant 0 : index
    %get3A_68 = arith.constant 0 : index
    %get3A_69 = vector.load %arg10[%get3A_67, %get3A_68] : memref<64x1xf32, #tpu.memory_space<vmem>>, vector<64x1xf32>
    %add3A_70 = vector.broadcast %get3A_69 : vector<64x1xf32> to vector<64x2048xf32>
    %add3A_71 = arith.addf %add3A, %add3A_70 : vector<64x2048xf32>
    %max3A = arith.constant 0.000000e+00 : f32
    %max3A_72 = vector.broadcast %max3A : f32 to vector<64x2048xf32>
    %max3A_73 = arith.maximumf %add3A_71, %max3A_72 : vector<64x2048xf32>
    %get3A_74 = arith.constant 0 : index
    %get3A_75 = arith.constant 0 : index
    %get3A_76 = vector.load %arg11[%get3A_74, %get3A_75] : memref<64x64xf32, #tpu.memory_space<vmem>>, vector<64x64xf32>
    %dot_general3A_77 = arith.constant dense<0.000000e+00> : vector<64x2048xf32>
    %dot_general3A_78 = tpu.matmul %get3A_76, %max3A_73, %dot_general3A_77 {dimension_numbers = #tpu.dot_dimension_numbers<[1], [0], [0], [1], [0, 0, 1, 1], [], []>, transpose_lhs_hint = false} : vector<64x64xf32>, vector<64x2048xf32>, vector<64x2048xf32> -> vector<64x2048xf32>
    %get3A_79 = arith.constant 0 : index
    %get3A_80 = arith.constant 0 : index
    %get3A_81 = vector.load %arg12[%get3A_79, %get3A_80] : memref<64x1xf32, #tpu.memory_space<vmem>>, vector<64x1xf32>
    %add3A_82 = vector.broadcast %get3A_81 : vector<64x1xf32> to vector<64x2048xf32>
    %add3A_83 = arith.addf %dot_general3A_78, %add3A_82 : vector<64x2048xf32>
    %max3A_84 = arith.constant 0.000000e+00 : f32
    %max3A_85 = vector.broadcast %max3A_84 : f32 to vector<64x2048xf32>
    %max3A_86 = arith.maximumf %add3A_83, %max3A_85 : vector<64x2048xf32>
    %iota3A_87 = tpu.iota {dimensions = array<i32: 1>} : vector<16x2048xi32>
    %mul3A = arith.constant 2048 : i32
    %mul3A_88 = arith.muli %arg0, %mul3A : i32
    %add3A_89 = vector.broadcast %mul3A_88 : i32 to vector<16x2048xi32>
    %add3A_90 = arith.addi %iota3A_87, %add3A_89 : vector<16x2048xi32>
    %get3A_91 = arith.constant 0 : index
    %get3A_92 = arith.constant 0 : index
    %get3A_93 = vector.load %arg4[%get3A_91, %get3A_92] : memref<16x1xi32, #tpu.memory_space<vmem>>, vector<16x1xi32>
    %ge3A = vector.broadcast %get3A_93 : vector<16x1xi32> to vector<16x2048xi32>
    %ge3A_94 = arith.cmpi sge, %add3A_90, %ge3A : vector<16x2048xi32>
    %get3A_95 = arith.constant 0 : index
    %get3A_96 = arith.constant 0 : index
    %get3A_97 = vector.load %arg5[%get3A_95, %get3A_96] : memref<16x1xi32, #tpu.memory_space<vmem>>, vector<16x1xi32>
    %lt3A_98 = vector.broadcast %get3A_97 : vector<16x1xi32> to vector<16x2048xi32>
    %lt3A_99 = arith.cmpi slt, %add3A_90, %lt3A_98 : vector<16x2048xi32>
    %and3A_100 = arith.andi %ge3A_94, %lt3A_99 : vector<16x2048xi1>
    %get3A_101 = arith.constant 0 : index
    %get3A_102 = arith.constant 0 : index
    %get3A_103 = vector.load %arg14[%get3A_101, %get3A_102] : memref<64x64xf32, #tpu.memory_space<vmem>>, vector<64x64xf32>
    %get3A_104 = arith.constant 0 : index
    %get3A_105 = arith.constant 0 : index
    %get3A_106 = vector.load %arg6[%get3A_104, %get3A_105] : memref<64x16xf32, #tpu.memory_space<vmem>>, vector<64x16xf32>
    %dot_general3A_107 = arith.constant dense<0.000000e+00> : vector<64x16xf32>
    %dot_general3A_108 = tpu.matmul %get3A_103, %get3A_106, %dot_general3A_107 {dimension_numbers = #tpu.dot_dimension_numbers<[1], [0], [0], [1], [0, 0, 1, 1], [], []>, transpose_lhs_hint = false} : vector<64x64xf32>, vector<64x16xf32>, vector<64x16xf32> -> vector<64x16xf32>
    %get3A_109 = arith.constant 0 : index
    %get3A_110 = arith.constant 0 : index
    %get3A_111 = vector.load %arg15[%get3A_109, %get3A_110] : memref<64x1xf32, #tpu.memory_space<vmem>>, vector<64x1xf32>
    %add3A_112 = vector.broadcast %get3A_111 : vector<64x1xf32> to vector<64x16xf32>
    %add3A_113 = arith.addf %dot_general3A_108, %add3A_112 : vector<64x16xf32>
    %get3A_114 = arith.constant 0 : index
    %get3A_115 = arith.constant 0 : index
    %get3A_116 = vector.load %arg13[%get3A_114, %get3A_115] : memref<64x64xf32, #tpu.memory_space<vmem>>, vector<64x64xf32>
    %dot_general3A_117 = arith.constant dense<0.000000e+00> : vector<64x2048xf32>
    %dot_general3A_118 = tpu.matmul %get3A_116, %max3A_86, %dot_general3A_117 {dimension_numbers = #tpu.dot_dimension_numbers<[1], [0], [0], [1], [0, 0, 1, 1], [], []>, transpose_lhs_hint = false} : vector<64x64xf32>, vector<64x2048xf32>, vector<64x2048xf32> -> vector<64x2048xf32>
    %convert_element_type3A_119 = arith.extui %and3A_100 : vector<16x2048xi1> to vector<16x2048xi32>
    %convert_element_type3A_120 = arith.sitofp %convert_element_type3A_119 : vector<16x2048xi32> to vector<16x2048xf32>
    %dot_general3A_121 = arith.constant dense<0.000000e+00> : vector<64x2048xf32>
    %dot_general3A_122 = tpu.matmul %add3A_113, %convert_element_type3A_120, %dot_general3A_121 {dimension_numbers = #tpu.dot_dimension_numbers<[1], [0], [0], [1], [0, 0, 1, 1], [], []>, transpose_lhs_hint = false} : vector<64x16xf32>, vector<16x2048xf32>, vector<64x2048xf32> -> vector<64x2048xf32>
    %add3A_123 = arith.addf %dot_general3A_118, %dot_general3A_122 : vector<64x2048xf32>
    %max3A_124 = arith.constant 0.000000e+00 : f32
    %max3A_125 = vector.broadcast %max3A_124 : f32 to vector<64x2048xf32>
    %max3A_126 = arith.maximumf %add3A_123, %max3A_125 : vector<64x2048xf32>
    %get3A_127 = arith.constant 0 : index
    %get3A_128 = arith.constant 0 : index
    %get3A_129 = vector.load %arg16[%get3A_127, %get3A_128] : memref<64x64xf32, #tpu.memory_space<vmem>>, vector<64x64xf32>
    %dot_general3A_130 = arith.constant dense<0.000000e+00> : vector<64x2048xf32>
    %dot_general3A_131 = tpu.matmul %get3A_129, %max3A_126, %dot_general3A_130 {dimension_numbers = #tpu.dot_dimension_numbers<[1], [0], [0], [1], [0, 0, 1, 1], [], []>, transpose_lhs_hint = false} : vector<64x64xf32>, vector<64x2048xf32>, vector<64x2048xf32> -> vector<64x2048xf32>
    %get3A_132 = arith.constant 0 : index
    %get3A_133 = arith.constant 0 : index
    %get3A_134 = vector.load %arg17[%get3A_132, %get3A_133] : memref<64x1xf32, #tpu.memory_space<vmem>>, vector<64x1xf32>
    %add3A_135 = vector.broadcast %get3A_134 : vector<64x1xf32> to vector<64x2048xf32>
    %add3A_136 = arith.addf %dot_general3A_131, %add3A_135 : vector<64x2048xf32>
    %max3A_137 = arith.constant 0.000000e+00 : f32
    %max3A_138 = vector.broadcast %max3A_137 : f32 to vector<64x2048xf32>
    %max3A_139 = arith.maximumf %add3A_136, %max3A_138 : vector<64x2048xf32>
    %get3A_140 = arith.constant 0 : index
    %get3A_141 = arith.constant 0 : index
    %get3A_142 = vector.load %arg18[%get3A_140, %get3A_141] : memref<1x64xf32, #tpu.memory_space<vmem>>, vector<1x64xf32>
    %dot_general3A_143 = arith.constant dense<0.000000e+00> : vector<1x2048xf32>
    %dot_general3A_144 = tpu.matmul %get3A_142, %max3A_139, %dot_general3A_143 {dimension_numbers = #tpu.dot_dimension_numbers<[1], [0], [0], [1], [0, 0, 1, 1], [], []>, transpose_lhs_hint = false} : vector<1x64xf32>, vector<64x2048xf32>, vector<1x2048xf32> -> vector<1x2048xf32>
    %get3A_145 = arith.constant 0 : index
    %get3A_146 = arith.constant 0 : index
    %get3A_147 = vector.load %arg19[%get3A_145, %get3A_146] : memref<1x1xf32, #tpu.memory_space<vmem>>, vector<1x1xf32>
    %add3A_148 = vector.broadcast %get3A_147 : vector<1x1xf32> to vector<1x2048xf32>
    %add3A_149 = arith.addf %dot_general3A_144, %add3A_148 : vector<1x2048xf32>
    %broadcast_in_dim3A_150 = vector.shape_cast %add3A_149 : vector<1x2048xf32> to vector<1x2048xf32>
    %broadcast_in_dim3A_151 = vector.broadcast %broadcast_in_dim3A_150 : vector<1x2048xf32> to vector<16x2048xf32>
    %jit3A = arith.constant -1.000000e+30 : f32
    %broadcast_in_dim3A_152 = vector.broadcast %jit3A : f32 to vector<16x2048xf32>
    %select_n3A_153 = arith.select %and3A_100, %broadcast_in_dim3A_151, %broadcast_in_dim3A_152 : vector<16x2048xi1>, vector<16x2048xf32>
    %reduce_max3A = arith.constant dense<0xFF800000> : vector<16xf32>
    %reduce_max3A_154 = vector.multi_reduction <maximumf>, %select_n3A_153, %reduce_max3A [1] : vector<16x2048xf32> to vector<16xf32>
    %broadcast_in_dim3A_155 = vector.shape_cast %reduce_max3A_154 : vector<16xf32> to vector<16x1xf32>
    %get3A_156 = arith.constant 0 : index
    %get3A_157 = arith.constant 0 : index
    %get3A_158 = vector.load %arg21[%get3A_156, %get3A_157] : memref<16x1xf32, #tpu.memory_space<vmem>>, vector<16x1xf32>
    %max3A_159 = arith.maximumf %get3A_158, %broadcast_in_dim3A_155 : vector<16x1xf32>
    %sub3A = arith.subf %get3A_158, %max3A_159 : vector<16x1xf32>
    %exp3A = math.exp %sub3A : vector<16x1xf32>
    %sub3A_160 = vector.broadcast %max3A_159 : vector<16x1xf32> to vector<16x2048xf32>
    %sub3A_161 = arith.subf %broadcast_in_dim3A_151, %sub3A_160 : vector<16x2048xf32>
    %exp3A_162 = math.exp %sub3A_161 : vector<16x2048xf32>
    %jit3A_163 = arith.constant 0.000000e+00 : f32
    %broadcast_in_dim3A_164 = vector.broadcast %jit3A_163 : f32 to vector<16x2048xf32>
    %select_n3A_165 = arith.select %and3A_100, %exp3A_162, %broadcast_in_dim3A_164 : vector<16x2048xi1>, vector<16x2048xf32>
    %get3A_166 = arith.constant 0 : index
    %get3A_167 = arith.constant 0 : index
    %get3A_168 = vector.load %arg22[%get3A_166, %get3A_167] : memref<16x1xf32, #tpu.memory_space<vmem>>, vector<16x1xf32>
    %mul3A_169 = arith.mulf %get3A_168, %exp3A : vector<16x1xf32>
    %reduce_sum3A = arith.constant dense<0.000000e+00> : vector<16xf32>
    %reduce_sum3A_170 = vector.multi_reduction <add>, %select_n3A_165, %reduce_sum3A [1] : vector<16x2048xf32> to vector<16xf32>
    %broadcast_in_dim3A_171 = vector.shape_cast %reduce_sum3A_170 : vector<16xf32> to vector<16x1xf32>
    %add3A_172 = arith.addf %mul3A_169, %broadcast_in_dim3A_171 : vector<16x1xf32>
    %swap3A = arith.constant 0 : index
    %swap3A_173 = arith.constant 0 : index
    %swap3A_174 = vector.load %arg22[%swap3A, %swap3A_173] : memref<16x1xf32, #tpu.memory_space<vmem>>, vector<16x1xf32>
    tpu.vector_store %arg22[%swap3A, %swap3A_173], %add3A_172 {strides = array<i32>} : memref<16x1xf32, #tpu.memory_space<vmem>>, vector<16x1xf32>,
    %get3A_175 = arith.constant 0 : index
    %get3A_176 = arith.constant 0 : index
    %get3A_177 = vector.load %arg20[%get3A_175, %get3A_176] : memref<16x64xf32, #tpu.memory_space<vmem>>, vector<16x64xf32>
    %mul3A_178 = vector.broadcast %exp3A : vector<16x1xf32> to vector<16x64xf32>
    %mul3A_179 = arith.mulf %get3A_177, %mul3A_178 : vector<16x64xf32>
    %dot_general3A_180 = arith.constant dense<0.000000e+00> : vector<16x64xf32>
    %dot_general3A_181 = tpu.matmul %select_n3A_165, %max3A_86, %dot_general3A_180 {dimension_numbers = #tpu.dot_dimension_numbers<[1], [1], [0], [0], [0, 0, 1, 0], [], []>, transpose_lhs_hint = false} : vector<16x2048xf32>, vector<64x2048xf32>, vector<16x64xf32> -> vector<16x64xf32>
    %add3A_182 = arith.addf %mul3A_179, %dot_general3A_181 : vector<16x64xf32>
    %swap3A_183 = arith.constant 0 : index
    %swap3A_184 = arith.constant 0 : index
    %swap3A_185 = vector.load %arg20[%swap3A_183, %swap3A_184] : memref<16x64xf32, #tpu.memory_space<vmem>>, vector<16x64xf32>
    tpu.vector_store %arg20[%swap3A_183, %swap3A_184], %add3A_182 {strides = array<i32>} : memref<16x64xf32, #tpu.memory_space<vmem>>, vector<16x64xf32>,
    %swap3A_186 = arith.constant 0 : index
    %swap3A_187 = arith.constant 0 : index
    %swap3A_188 = vector.load %arg21[%swap3A_186, %swap3A_187] : memref<16x1xf32, #tpu.memory_space<vmem>>, vector<16x1xf32>
    tpu.vector_store %arg21[%swap3A_186, %swap3A_187], %max3A_159 {strides = array<i32>} : memref<16x1xf32, #tpu.memory_space<vmem>>, vector<16x1xf32>,
    %eq3A_189 = arith.constant 15 : i32
    %eq3A_190 = arith.cmpi eq, %arg0, %eq3A_189 : i32
    %convert_element_type3A_191 = arith.extui %eq3A_190 : i1 to i32
    %cond3A_192 = arith.constant 0 : i32
    %cond3A_193 = arith.cmpi ne, %convert_element_type3A_191, %cond3A_192 : i32
    scf.if %cond3A_193 {
      %get3A_194 = arith.constant 0 : index
      %get3A_195 = arith.constant 0 : index
      %get3A_196 = vector.load %arg22[%get3A_194, %get3A_195] : memref<16x1xf32, #tpu.memory_space<vmem>>, vector<16x1xf32>
      %gt3A = arith.constant 0.000000e+00 : f32
      %gt3A_197 = vector.broadcast %gt3A : f32 to vector<16x1xf32>
      %gt3A_198 = arith.cmpf ogt, %get3A_196, %gt3A_197 : vector<16x1xf32>
      %get3A_199 = arith.constant 0 : index
      %get3A_200 = arith.constant 0 : index
      %get3A_201 = vector.load %arg20[%get3A_199, %get3A_200] : memref<16x64xf32, #tpu.memory_space<vmem>>, vector<16x64xf32>
      %div3A = vector.broadcast %get3A_196 : vector<16x1xf32> to vector<16x64xf32>
      %div3A_202 = arith.divf %get3A_201, %div3A : vector<16x64xf32>
      %jit3A_203 = arith.constant 0.000000e+00 : f32
      %broadcast_in_dim3A_204 = vector.shape_cast %gt3A_198 : vector<16x1xi1> to vector<16x1xi1>
      %broadcast_in_dim3A_205 = vector.broadcast %broadcast_in_dim3A_204 : vector<16x1xi1> to vector<16x64xi1>
      %broadcast_in_dim3A_206 = vector.broadcast %jit3A_203 : f32 to vector<16x64xf32>
      %select_n3A_207 = arith.select %broadcast_in_dim3A_205, %div3A_202, %broadcast_in_dim3A_206 : vector<16x64xi1>, vector<16x64xf32>
      %swap3A_208 = arith.constant 0 : index
      %swap3A_209 = arith.constant 0 : index
      %swap3A_210 = vector.load %arg20[%swap3A_208, %swap3A_209] : memref<16x64xf32, #tpu.memory_space<vmem>>, vector<16x64xf32>
      tpu.vector_store %arg20[%swap3A_208, %swap3A_209], %select_n3A_207 {strides = array<i32>} : memref<16x64xf32, #tpu.memory_space<vmem>>, vector<16x64xf32>,
    } else {
    }
    return
  }
  func.func @transform_0(%arg0: i32) -> (i32, i32) {
    %c0_i32 = arith.constant 0 : i32
    %c0_i32_0 = arith.constant 0 : i32
    return %arg0, %c0_i32 : i32, i32
  }
  func.func @transform_1(%arg0: i32) -> (i32, i32) {
    %c0_i32 = arith.constant 0 : i32
    %c0_i32_0 = arith.constant 0 : i32
    return %c0_i32, %arg0 : i32, i32
  }
  func.func @transform_2(%arg0: i32) -> (i32, i32) {
    %c0_i32 = arith.constant 0 : i32
    %c0_i32_0 = arith.constant 0 : i32
    return %c0_i32, %arg0 : i32, i32
  }
  func.func @transform_3(%arg0: i32) -> (i32, i32) {
    %c0_i32 = arith.constant 0 : i32
    %c0_i32_0 = arith.constant 0 : i32
    %c0_i32_1 = arith.constant 0 : i32
    return %c0_i32, %c0_i32_0 : i32, i32
  }
  func.func @transform_4(%arg0: i32) -> (i32, i32) {
    %c0_i32 = arith.constant 0 : i32
    %c0_i32_0 = arith.constant 0 : i32
    %c0_i32_1 = arith.constant 0 : i32
    return %c0_i32, %c0_i32_0 : i32, i32
  }
  func.func @transform_5(%arg0: i32) -> (i32, i32) {
    %c0_i32 = arith.constant 0 : i32
    %c0_i32_0 = arith.constant 0 : i32
    %c0_i32_1 = arith.constant 0 : i32
    return %c0_i32, %c0_i32_0 : i32, i32
  }
  func.func @transform_6(%arg0: i32) -> (i32, i32) {
    %c0_i32 = arith.constant 0 : i32
    %c0_i32_0 = arith.constant 0 : i32
    %c0_i32_1 = arith.constant 0 : i32
    return %c0_i32, %c0_i32_0 : i32, i32
  }
  func.func @transform_7(%arg0: i32) -> (i32, i32) {
    %c0_i32 = arith.constant 0 : i32
    %c0_i32_0 = arith.constant 0 : i32
    %c0_i32_1 = arith.constant 0 : i32
    return %c0_i32, %c0_i32_0 : i32, i32
  }
  func.func @transform_8(%arg0: i32) -> (i32, i32) {
    %c0_i32 = arith.constant 0 : i32
    %c0_i32_0 = arith.constant 0 : i32
    %c0_i32_1 = arith.constant 0 : i32
    return %c0_i32, %c0_i32_0 : i32, i32
  }
  func.func @transform_9(%arg0: i32) -> (i32, i32) {
    %c0_i32 = arith.constant 0 : i32
    %c0_i32_0 = arith.constant 0 : i32
    %c0_i32_1 = arith.constant 0 : i32
    return %c0_i32, %c0_i32_0 : i32, i32
  }
  func.func @transform_10(%arg0: i32) -> (i32, i32) {
    %c0_i32 = arith.constant 0 : i32
    %c0_i32_0 = arith.constant 0 : i32
    %c0_i32_1 = arith.constant 0 : i32
    return %c0_i32, %c0_i32_0 : i32, i32
  }
  func.func @transform_11(%arg0: i32) -> (i32, i32) {
    %c0_i32 = arith.constant 0 : i32
    %c0_i32_0 = arith.constant 0 : i32
    %c0_i32_1 = arith.constant 0 : i32
    return %c0_i32, %c0_i32_0 : i32, i32
  }
  func.func @transform_12(%arg0: i32) -> (i32, i32) {
    %c0_i32 = arith.constant 0 : i32
    %c0_i32_0 = arith.constant 0 : i32
    %c0_i32_1 = arith.constant 0 : i32
    return %c0_i32, %c0_i32_0 : i32, i32
  }
  func.func @transform_13(%arg0: i32) -> (i32, i32) {
    %c0_i32 = arith.constant 0 : i32
    %c0_i32_0 = arith.constant 0 : i32
    %c0_i32_1 = arith.constant 0 : i32
    return %c0_i32, %c0_i32_0 : i32, i32
  }
  func.func @transform_14(%arg0: i32) -> (i32, i32) {
    %c0_i32 = arith.constant 0 : i32
    %c0_i32_0 = arith.constant 0 : i32
    %c0_i32_1 = arith.constant 0 : i32
    return %c0_i32, %c0_i32_0 : i32, i32
  }
  func.func @transform_15(%arg0: i32) -> (i32, i32) {
    %c0_i32 = arith.constant 0 : i32
    %c0_i32_0 = arith.constant 0 : i32
    %c0_i32_1 = arith.constant 0 : i32
    return %c0_i32, %c0_i32_0 : i32, i32
  }
  func.func @transform_16(%arg0: i32) -> (i32, i32) {
    %c0_i32 = arith.constant 0 : i32
    %c0_i32_0 = arith.constant 0 : i32
    %c0_i32_1 = arith.constant 0 : i32
    return %c0_i32, %c0_i32_0 : i32, i32
  }
  func.func @transform_17(%arg0: i32) -> (i32, i32) {
    %c0_i32 = arith.constant 0 : i32
    %c0_i32_0 = arith.constant 0 : i32
    %c0_i32_1 = arith.constant 0 : i32
    return %c0_i32, %c0_i32_0 : i32, i32
  }
  func.func @transform_18(%arg0: i32) -> (i32, i32) {
    %c0_i32 = arith.constant 0 : i32
    %c0_i32_0 = arith.constant 0 : i32
    %c0_i32_1 = arith.constant 0 : i32
    return %c0_i32, %c0_i32_0 : i32, i32
  }
  func.func @transform_19(%arg0: i32) -> (i32, i32) {
    %c0_i32 = arith.constant 0 : i32
    %c0_i32_0 = arith.constant 0 : i32
    %c0_i32_1 = arith.constant 0 : i32
    return %c0_i32, %c0_i32_0 : i32, i32
  }
}

</mosaic_0001>

<sc_bundles>
// kernel: kernel.6.cloned.1.call-start
scs
__scs_entry_jumppad:
0x0: {  	(pc) =	sbr.rel $0x88, $3  }
0x1: {  	(tag) =	ssettag $0x0;
	lr =	simm.s32 $0x1  }
0x2: {  	[smem:$0x3F90] =	sst lr;
	_ =	strace $0xD0000000  }
0x3: {  	_ = 	snop  }
0x4: {  	_ = 	snop  }
0x5: {  	_ = 	snop  }
0x6: {  	_ = 	snop  }
0x7: {  	_ = 	snop  }
__scs_overlays_trampoline_lowered:
0x8: {  	[smem:$0x3F9F] =	sst s0  }
0x9: {  	[smem:$0x3FA0] =	sst s1  }
0xa: {  	[smem:$0x3FA1] =	sst s2  }
0xb: {  	[smem:$0x3FA2] =	sst s3  }
0xc: {  	[smem:$0x3FA3] =	sst s4  }
0xd: {  	[smem:$0x3FA4] =	sst s5  }
0xe: {  	[smem:$0x3FA5] =	sst s6  }
0xf: {  	[smem:$0x3FA6] =	sst s7  }
0x10: {  	[smem:$0x3FA7] =	sst s8  }
0x11: {  	[smem:$0x3FA8] =	sst s9;
	s0 =	simm.s32 @!p0 $0x0  }
0x12: {  	s1 =	sld [smem:$0x3F8E];
	s0 =	simm.s32 @p0 $0x1  }
0x13: {  	[smem:$0x3FA9] =	sst s0;
	s0 =	simm.s32 @!p1 $0x0  }
0x14: {  	s2 =	sld [smem:$0x3F8D];
	s0 =	simm.s32 @p1 $0x1  }
0x15: {  	[smem:$0x3FAA] =	sst s0;
	s0 =	simm.s32 @!p2 $0x0  }
0x16: {  	s3 =	sld [smem:$0x3FDB];
	s0 =	simm.s32 @p2 $0x1  }
0x17: {  	s4 =	simm.s32 $0x1BF5;
	[smem:$0x3FAC] =	sst s0  }
0x18: {  	s0 =	sld [smem:$0x3F8F];
	_ =	swait.ge [sflag:s4], $0x0  }
0x19: {  	s7 =	sld [smem:$0x3F90]  }
0x1a: {  	s8 =	sadd.s32 $0xFFFFE003, lr  }
0x1b: {  	s9 =	sadd.s32 $0xFFFFFEF7, lr;
	s5 =	simm.s32 $0xFFFFFFFF;
	p2 =	slt.u32 s8, $0xFFFFF086  }
0x1c: {  	p1 =	slt.u32 s9, $0xF7A;
	s5 =	simm.s32 @!p2 $0x0  }
0x1d: {  	s5 =	simm.s32 @p1 $0x1;
	p0 =	seq.s32 s7, s2  }
0x1e: {  	s7 =	smul.u32 @!p0 $0xF7A, s2;
	p2 =	seq.s32 @!p0 s5, $0x0  }
0x1f: {  	s9 =	smul.u32 $0xF7A, s1;
	s8 =	simm.s32 @!p0 $0x1BF5;
	p2 =	por !p2, p0  }
0x20: {  	[sflag:s8] =	ssyncset.s32 @!p0 $0xFFFFF086;
	s6 =	sadd.s32 @!p0 s3, s7;
	s7 =	simm.s32 @!p0 $0x108  }
0x21: {  	s3 =	sadd.s32 s3, s9;
	s6 =	sadd.s32 @!p0 $0x88, s6;
	s7 =	simm.s32 @p2 $0x1082  }
0x22: {  	[simem:s7], [sflag:s8] =	dma.local @!p0 [hbm:s6], $0xF7A  }
0x23: {  	s9 =	sor.u32 $0xD0000000, s2;
	s6 =	simm.s32 $0x108;
	_ =	swait.ge @!p0 [sflag:s8], $0x0  }
0x24: {  	s3 =	sadd.s32 $0x88, s3;
	s6 =	simm.s32 @!p1 $0x1082;
	[sflag:s4] =	ssyncset.s32 $0xFFFFF086  }
0x25: {  	[simem:s6], [sflag:s4] =	dma.local [hbm:s3], $0xF7A  }
0x26: {  	[smem:$0x3F90] =	sst s1;
	(tag) =	ssettag s2;
	_ =	strace s9  }
0x27: {  	s1 =	sld [smem:$0x3FA0]  }
0x28: {  	s2 =	sld [smem:$0x3FA1]  }
0x29: {  	s4 =	sld [smem:$0x3FA3]  }
0x2a: {  	p0 =	seq.s32 s5, $0x0;
	s5 =	sld [smem:$0x3FA4]  }
0x2b: {  	s6 =	sld [smem:$0x3FA5]  }
0x2c: {  	s7 =	sld [smem:$0x3FA6]  }
0x2d: {  	s3 =	simm.s32 $0x108;
	s8 =	sld [smem:$0x3FA7]  }
0x2e: {  	s3 =	simm.s32 @!p0 $0x1082;
	s9 =	sld [smem:$0x3FA8]  }
0x2f: {  	lr =	sadd.s32 s0, s3;
	s0 =	sld [smem:$0x3F9F]  }
0x30: {  	s3 =	sld [smem:$0x3FA2]  }
0x31: {  	[smem:$0x3FAB] =	sst s10  }
0x32: {  	s10 =	sld [smem:$0x3FA9];
	_ =	sdelay $0x3  }
0x33: {  	p0 =	seq.s32 s10, $0x1;
	s10 =	sld [smem:$0x3FAB];
	_ =	sdelay $0x3  }
0x34: {  	[smem:$0x3FAB] =	sst s10  }
0x35: {  	s10 =	sld [smem:$0x3FAA];
	_ =	sdelay $0x3  }
0x36: {  	p1 =	seq.s32 s10, $0x1;
	s10 =	sld [smem:$0x3FAB];
	_ =	sdelay $0x3  }
0x37: {  	[smem:$0x3FAB] =	sst s10  }
0x38: {  	s10 =	sld [smem:$0x3FAC]  }
0x39: {  	_ = 	snop;
	(pc) =	sbr.ind lr, $3  }
0x3a: {  	_ = 	snop  }
0x3b: {  	_ = 	snop  }
0x3c: {  	p2 =	seq.s32 s10, $0x1;
	s10 =	sld [smem:$0x3FAB]  }
0x3d: {  	_ =	shalt  }
0x3e: {  	_ =	shalt  }
0x3f: {  	_ =	shalt  }
0x40: {  	_ =	shalt  }
0x41: {  	_ =	shalt  }
0x42: {  	_ =	shalt  }
0x43: {  	_ =	shalt  }
0x44: {  	_ =	shalt  }
0x45: {  	_ =	shalt  }
0x46: {  	_ =	shalt  }
0x47: {  	_ =	shalt  }
0x48: {  	_ =	shalt  }
0x49: {  	_ =	shalt  }
0x4a: {  	_ =	shalt  }
0x4b: {  	_ =	shalt  }
0x4c: {  	_ =	shalt  }
0x4d: {  	_ =	shalt  }
0x4e: {  	_ =	shalt  }
0x4f: {  	_ =	shalt  }
0x50: {  	_ =	shalt  }
0x51: {  	_ =	shalt  }
0x52: {  	_ =	shalt  }
0x53: {  	_ =	shalt  }
0x54: {  	_ =	shalt  }
0x55: {  	_ =	shalt  }
0x56: {  	_ =	shalt  }
0x57: {  	_ =	shalt  }
0x58: {  	_ =	shalt  }
0x59: {  	_ =	shalt  }
0x5a: {  	_ =	shalt  }
0x5b: {  	_ =	shalt  }
0x5c: {  	_ =	shalt  }
0x5d: {  	_ =	shalt  }
0x5e: {  	_ =	shalt  }
0x5f: {  	_ =	shalt  }
0x60: {  	_ =	shalt  }
0x61: {  	_ =	shalt  }
0x62: {  	_ =	shalt  }
0x63: {  	_ =	shalt  }
0x64: {  	_ =	shalt  }
0x65: {  	_ =	shalt  }
0x66: {  	_ =	shalt  }
0x67: {  	_ =	shalt  }
0x68: {  	_ =	shalt  }
0x69: {  	_ =	shalt  }
0x6a: {  	_ =	shalt  }
0x6b: {  	_ =	shalt  }
0x6c: {  	_ =	shalt  }
0x6d: {  	_ =	shalt  }
0x6e: {  	_ =	shalt  }
0x6f: {  	_ =	shalt  }
0x70: {  	_ =	shalt  }
0x71: {  	_ =	shalt  }
0x72: {  	_ =	shalt  }
0x73: {  	_ =	shalt  }
0x74: {  	_ =	shalt  }
0x75: {  	_ =	shalt  }
0x76: {  	_ =	shalt  }
0x77: {  	_ =	shalt  }
0x78: {  	_ =	shalt  }
0x79: {  	_ =	shalt  }
0x7a: {  	_ =	shalt  }
0x7b: {  	_ =	shalt  }
0x7c: {  	_ =	shalt  }
0x7d: {  	_ =	shalt  }
0x7e: {  	_ =	shalt  }
0x7f: {  	_ =	shalt  }
0x80: {  	_ =	shalt  }
0x81: {  	_ =	shalt  }
0x82: {  	_ =	shalt  }
0x83: {  	_ =	shalt  }
0x84: {  	_ =	shalt  }
0x85: {  	_ =	shalt  }
0x86: {  	_ =	shalt  }
0x87: {  	_ =	shalt  }
.Lfunc_end0:
.L_simem_size_0:
called_computation_lowered:
.L_overlay_start_0:
0x88: {  	s2 =	sld [smem:$0x3FD9]  }
0x89: {  	s3 =	sld [smem:$0x3FFE];
	_ =	sdelay $0x1  }
0x8a: {  	s1 =	srdreg.scid  }
0x8b: {  	s0 =	sand.u32 $0x1, s1  }
0x8c: {  	s16 =	sshll.u32 s0, $0xA;
	s2 =	sadd.s32 s3, s2  }
0x8d: {  	s2 =	sadd.s32 s2, s16  }
0x8e: {  	[smem:$0x3FB7] =	sst s2  }
0x8f: {  	_ = 	snop  }
0x90: {  	(tm) =	ssettm $0x1  }
0x91: {  	s17 =	sld [smem:$0x3FFB];
	_ =	sdelay $0x3  }
0x92: {  	_ =	strace s17  }
0x93: {  	s2 =	sld [smem:$0x3FFC];
	_ =	sdelay $0x3  }
0x94: {  	_ =	strace s2  }
0x95: {  	s2 =	sld [smem:$0x3FFD];
	_ =	sdelay $0x3  }
0x96: {  	_ =	strace s2  }
0x97: {  	_ =	strace $0x8FFFFFFF  }
0x98: {  	s18 =	sld [smem:$0x3FDB];
	_ =	sdelay $0x1  }
0x99: {  	s19 =	simm.s32 $_scs_section_size  }
0x9a: {  	s4 =	simm.s32 $_size__tile_overlayer_lowered;
	s5 =	simm.s32 $_tile_overlayer_lowered  }
0x9b: {  	s22 =	simm.s32 $0x1BFF;
	s21 =	sshll.u32 s5, $0x1;
	s2 =	sadd.s32 s19, s18  }
0x9c: {  	s6 =	simm.s32 $0x0;
	s20 =	sshll.u32 s4, $0x1;
	s4 =	sadd.s32 s21, s2  }
0x9d: {  	[timem:s6], [sflag:s22] =	dma.local [hbm:s4], s20  }
0x9e: {  	_ =	swait.ge [sflag:s22], s20  }
0x9f: {  	s3 =	ssub.s32 $0x0, s20;
	[sflag:s22] =	ssyncset.done $0x0  }
0xa0: {  	[sflag:s22] =	ssyncadd.s32 s3;
	_ =	sdelay $0x1  }
0xa1: {  	s23 =	simm.s32 $0x1B8B  }
0xa2: {  	_ =	swait.ge [sflag:s23], $0x1  }
0xa3: {  	[sflag:s23] =	ssyncset.done $0x0  }
0xa4: {  	s25 =	simm.s32 $0x1B8E;
	s24 =	sld [smem:$0x3FFE];
	[sflag:s23] =	ssyncadd.s32 $0xFFFFFFFF  }
0xa5: {  	s26 =	simm.s32 $execute0_lowered;
	[smem:$0x3FD2] =	sst s25  }
0xa6: {  	s4 =	sshll.u32 s26, $0x1;
	_ =	strace $0x80000046;
	[dreg:$0x1] =	wrdreg $0xFFFFFFFF  }
0xa7: {  	s28 =	simm.s32 $_size_execute0_lowered;
	s2 =	sadd.s32 s2, s4;
	[dreg:$0x0] =	wrdreg $0x0  }
0xa8: {  	s4 =	sshll.u32 s28, $0x1;
	[dreg:$0x2] =	wrdreg s2  }
0xa9: {  	[dreg:$0x3] =	wrdreg s4  }
0xaa: {  	[dreg:$0x4] =	wrdreg $0xC0  }
0xab: {  	_ =	task [dreg:s6], $0x5FFFF  }
0xac: {  	[dreg:$0x1] =	wrdreg $0xFFFFFFFF  }
0xad: {  	[dreg:$0x0] =	wrdreg $0x60  }
0xae: {  	[dreg:$0x2] =	wrdreg s24  }
0xaf: {  	[dreg:$0x3] =	wrdreg $0x9  }
0xb0: {  	_ =	task.clear_ibuf [dreg:s6], $0x4FFFF;
	_ =	strace $0x90000046  }
0xb1: {  	s29 =	simm.s32 $0x9;
	_ =	strace $0x80000048  }
0xb2: {  	_ =	swait.ge [sflag:s29], $0x1  }
0xb3: {  	[sflag:s29] =	ssyncadd.s32 $0xFFFFFFFF  }
0xb4: {  	_ =	strace $0x90000048  }
0xb5: {  	_ =	sfence  }
0xb6: {  	s30 =	sld [smem:$0x0];
	_ =	sdelay $0x2  }
0xb7: {  	s31 =	sshll.u32 s1, $0xD;
	s1 =	sshrl.u32 s1, $0x2  }
0xb8: {  	s3 =	sand.u32 $0x4000, s31;
	s1 =	sadd.s32 s1, s30  }
0xb9: {  	s0 =	sor.u32 s3, s0;
	s1 =	sshll.u32 s1, $0x11  }
0xba: {  	s0 =	sor.u32 s1, s0  }
0xbb: {  	s0 =	sadd.s32 $0x8F2B, s0  }
0xbc: {  	[sflag:s0] =	ssyncadd.remote.s32 $0x1  }
0xbd: {  	_ =	sfence.sel $0xFFFF  }
0xbe: {  	[dreg:$0x0] =	wrdreg $0xFFFFFFFF;
	(pc) =	sbr.abs _section_cstart, $3  }
0xbf: {  	[dreg:$0x1] =	wrdreg $0xFFFFFFFF  }
0xc0: {  	_ =	task.clear_ibuf [dreg:s6], $0x2FFFF;
	_ =	strace $0x9FFFFFFF  }
0xc1: {  	(tm) =	ssettm $0x7FFFFFFF  }
tec
execute0_lowered:
.L_overlay_start_1:
0x0: {  	(tag) =	ssettag $0x1  }
0x1: {  	s1 =	srdreg.scid  }
0x2: {  	s0 =	stileid.u32;
	s24 =	sand.u32 $0x1, s1  }
0x3: {  	s30 =	sshll.u32 s0, $0xB;
	s2 =	sshll.u32 s24, $0xA  }
0x4: {  	s10 =	rddreg [dreg:$0x0];
	s11 =	sor.u32 s2, s30  }
0x5: {  	s1 =	rddreg [dreg:$0x1];
	s2 =	simm.s32 $0x0;
	s3 =	sshrl.u32 s11, $0x3  }
0x6: {  	[smem:$0x7FF] =	sst s2;
	s3 =	sadd.s32 s3, s10  }
0x7: {  	_ =	strace $0x80000047;
	s4 =	sadd.s32 $0x2800, s3;
	s3 =	simm.s32 $0x3  }
0x8: {  	[tilespmem:s2], [sflag:$0x3] =	stream.linear.gather [hbm4b:s4+s2], $0x400, $0x38;
	[tilespmem:$0x8400] =	vst v63  }
0x9: {  	_ =	swait.ge [sflag:s3], $0x400  }
0xa: {  	s6 =	simm.s32 $0x80;
	[sflag:s3] =	ssyncset.done $0x0  }
0xb: {  	s7 =	simm.s32 $0x400;
	s5 =	sadd.s32 $0x4800, s10;
	[sflag:s3] =	ssyncadd.s32 $0xFFFFFC00  }
0xc: {  	[tilespmem:s7], [sflag:$0x1] =	stream.indirect.gather [hbm4b:s5+s6], $0x80, s2, s6, $0xb8;
	[tilespmem:$0x8400] =	vst v63  }
0xd: {  	s8 =	simm.s32 $0x4400;
	s9 =	simm.s32 $0x1  }
0xe: {  	[tilespmem:s8], [sflag:$0x2] =	stream.indirect.gather [hbm4b:s5+s6], $0x80, s6, s6, $0xb8;
	[tilespmem:$0x8400] =	vst v63  }
0xf: {  	s11 =	sshll.u32 s11, $0x4;
	_ =	swait.ge [sflag:s9], $0x4000  }
0x10: {  	s25 =	sadd.s32 s11, s10;
	[sflag:s9] =	ssyncset.done $0x0  }
0x11: {  	s10 =	sadd.s32 $0x3E4800, s25;
	[sflag:s9] =	ssyncadd.s32 $0xFFFFC000  }
0x12: {  	[hbm4b:s10+s2] =	stream.linear.scatter [tilespmem:s7], [sflag:$0x3], $0x4000, $0x38;
	[tilespmem:$0x8400] =	vst v63  }
0x13: {  	_ =	swait.ge [sflag:s3], $0x4000  }
0x14: {  	[sflag:s3] =	ssyncset.done $0x0  }
0x15: {  	s12 =	simm.s32 $0x2;
	s11 =	simm.s32 $0x100;
	[sflag:s3] =	ssyncadd.s32 $0xFFFFC000  }
0x16: {  	[tilespmem:s7], [sflag:$0x1] =	stream.indirect.gather [hbm4b:s5+s6], $0x80, s11, s6, $0xb8;
	[tilespmem:$0x8400] =	vst v63  }
0x17: {  	_ =	swait.ge [sflag:s12], $0x4000  }
0x18: {  	[sflag:s12] =	ssyncset.done $0x0  }
0x19: {  	s13 =	sadd.s32 $0x3E5000, s25;
	[sflag:s12] =	ssyncadd.s32 $0xFFFFC000  }
0x1a: {  	[hbm4b:s13+s2] =	stream.linear.scatter [tilespmem:s8], [sflag:$0x3], $0x4000, $0x38;
	[tilespmem:$0x8400] =	vst v63  }
0x1b: {  	_ =	swait.ge [sflag:s3], $0x4000  }
0x1c: {  	[sflag:s3] =	ssyncset.done $0x0  }
0x1d: {  	s14 =	simm.s32 $0x180;
	[sflag:s3] =	ssyncadd.s32 $0xFFFFC000  }
0x1e: {  	[tilespmem:s8], [sflag:$0x2] =	stream.indirect.gather [hbm4b:s5+s6], $0x80, s14, s6, $0xb8;
	[tilespmem:$0x8400] =	vst v63  }
0x1f: {  	_ =	swait.ge [sflag:s9], $0x4000  }
0x20: {  	[sflag:s9] =	ssyncset.done $0x0  }
0x21: {  	s15 =	sadd.s32 $0x3E5800, s25;
	[sflag:s9] =	ssyncadd.s32 $0xFFFFC000  }
0x22: {  	[hbm4b:s15+s2] =	stream.linear.scatter [tilespmem:s7], [sflag:$0x3], $0x4000, $0x38;
	[tilespmem:$0x8400] =	vst v63  }
0x23: {  	_ =	swait.ge [sflag:s3], $0x4000  }
0x24: {  	[sflag:s3] =	ssyncset.done $0x0  }
0x25: {  	s16 =	simm.s32 $0x200;
	[sflag:s3] =	ssyncadd.s32 $0xFFFFC000  }
0x26: {  	[tilespmem:s7], [sflag:$0x1] =	stream.indirect.gather [hbm4b:s5+s6], $0x80, s16, s6, $0xb8;
	[tilespmem:$0x8400] =	vst v63  }
0x27: {  	_ =	swait.ge [sflag:s12], $0x4000  }
0x28: {  	[sflag:s12] =	ssyncset.done $0x0  }
0x29: {  	s17 =	sadd.s32 $0x3E6000, s25;
	[sflag:s12] =	ssyncadd.s32 $0xFFFFC000  }
0x2a: {  	[hbm4b:s17+s2] =	stream.linear.scatter [tilespmem:s8], [sflag:$0x3], $0x4000, $0x38;
	[tilespmem:$0x8400] =	vst v63  }
0x2b: {  	_ =	swait.ge [sflag:s3], $0x4000  }
0x2c: {  	[sflag:s3] =	ssyncset.done $0x0  }
0x2d: {  	s18 =	simm.s32 $0x280;
	[sflag:s3] =	ssyncadd.s32 $0xFFFFC000  }
0x2e: {  	[tilespmem:s8], [sflag:$0x2] =	stream.indirect.gather [hbm4b:s5+s6], $0x80, s18, s6, $0xb8;
	[tilespmem:$0x8400] =	vst v63  }
0x2f: {  	_ =	swait.ge [sflag:s9], $0x4000  }
0x30: {  	[sflag:s9] =	ssyncset.done $0x0  }
0x31: {  	s19 =	sadd.s32 $0x3E6800, s25;
	[sflag:s9] =	ssyncadd.s32 $0xFFFFC000  }
0x32: {  	[hbm4b:s19+s2] =	stream.linear.scatter [tilespmem:s7], [sflag:$0x3], $0x4000, $0x38;
	[tilespmem:$0x8400] =	vst v63  }
0x33: {  	_ =	swait.ge [sflag:s3], $0x4000  }
0x34: {  	[sflag:s3] =	ssyncset.done $0x0  }
0x35: {  	s20 =	simm.s32 $0x300;
	[sflag:s3] =	ssyncadd.s32 $0xFFFFC000  }
0x36: {  	[tilespmem:s7], [sflag:$0x1] =	stream.indirect.gather [hbm4b:s5+s6], $0x80, s20, s6, $0xb8;
	[tilespmem:$0x8400] =	vst v63  }
0x37: {  	_ =	swait.ge [sflag:s12], $0x4000  }
0x38: {  	[sflag:s12] =	ssyncset.done $0x0  }
0x39: {  	s21 =	sadd.s32 $0x3E7000, s25;
	[sflag:s12] =	ssyncadd.s32 $0xFFFFC000  }
0x3a: {  	[hbm4b:s21+s2] =	stream.linear.scatter [tilespmem:s8], [sflag:$0x3], $0x4000, $0x38;
	[tilespmem:$0x8400] =	vst v63  }
0x3b: {  	_ =	swait.ge [sflag:s3], $0x4000  }
0x3c: {  	[sflag:s3] =	ssyncset.done $0x0  }
0x3d: {  	s22 =	simm.s32 $0x380;
	[sflag:s3] =	ssyncadd.s32 $0xFFFFC000  }
0x3e: {  	[tilespmem:s8], [sflag:$0x2] =	stream.indirect.gather [hbm4b:s5+s6], $0x80, s22, s6, $0xb8;
	[tilespmem:$0x8400] =	vst v63  }
0x3f: {  	_ =	swait.ge [sflag:s9], $0x4000  }
0x40: {  	[sflag:s9] =	ssyncset.done $0x0  }
0x41: {  	s24 =	ssub.s32 $0x2, s24;
	s23 =	sadd.s32 $0x3E7800, s25;
	[sflag:s9] =	ssyncadd.s32 $0xFFFFC000  }
0x42: {  	[hbm4b:s23+s2] =	stream.linear.scatter [tilespmem:s7], [sflag:$0x3], $0x4000, $0x38;
	[tilespmem:$0x8400] =	vst v63  }
0x43: {  	s26 =	sshrl.u32 s24, $0x1;
	_ =	swait.ge [sflag:s3], $0x4000  }
0x44: {  	s26 =	ssub.s32 s24, s26;
	[sflag:s3] =	ssyncset.done $0x0  }
0x45: {  	s31 =	smax.u32 s26, $0x1;
	[sflag:s3] =	ssyncadd.s32 $0xFFFFC000  }
0x46: {  	p0 =	sne.s32 s31, $0x1;
	_ =	swait.ge [sflag:s12], $0x4000  }
.Ltmp0:
0x47: {  	[sflag:s12] =	ssyncset.done $0x0;
	(pc) =	sbr.rel @!p0 .LBB2_2-.Ltmp0, $4  }
0x48: {  	s24 =	sadd.s32 $0x3E8000, s25;
	[sflag:s12] =	ssyncadd.s32 $0xFFFFC000  }
0x49: {  	[hbm4b:s24+s2] =	stream.linear.scatter [tilespmem:s8], [sflag:$0x3], $0x4000, $0x38;
	[tilespmem:$0x8400] =	vst v63  }
0x4a: {  	_ =	swait.ge [sflag:s3], $0x4000  }
0x4b: {  	s25 =	sadd.s32 $0xFFFFFFFF, s31;
	[sflag:s3] =	ssyncset.done $0x0  }
.LBB2_1:
0x4c: {  	p0 =	sne.s32 s25, $0x1;
	s25 =	sadd.s32 $0xFFFFFFFF, s25;
	[sflag:s3] =	ssyncadd.s32 $0xFFFFC000  }
0x4d: {  	[tilespmem:s2], [sflag:$0x3] =	stream.linear.gather [hbm4b:s4+s2], $0x400, $0x38;
	[tilespmem:$0x8400] =	vst v63  }
0x4e: {  	_ =	swait.ge [sflag:s3], $0x400  }
0x4f: {  	[sflag:s3] =	ssyncset.done $0x0  }
0x50: {  	[sflag:s3] =	ssyncadd.s32 $0xFFFFFC00  }
0x51: {  	[tilespmem:s7], [sflag:$0x1] =	stream.indirect.gather [hbm4b:s5+s6], $0x80, s2, s6, $0xb8;
	[tilespmem:$0x8400] =	vst v63  }
0x52: {  	_ = 	snop  }
0x53: {  	[tilespmem:s8], [sflag:$0x2] =	stream.indirect.gather [hbm4b:s5+s6], $0x80, s6, s6, $0xb8;
	[tilespmem:$0x8400] =	vst v63  }
0x54: {  	_ =	swait.ge [sflag:s9], $0x4000  }
0x55: {  	[sflag:s9] =	ssyncset.done $0x0  }
0x56: {  	[sflag:s9] =	ssyncadd.s32 $0xFFFFC000  }
0x57: {  	[hbm4b:s10+s2] =	stream.linear.scatter [tilespmem:s7], [sflag:$0x3], $0x4000, $0x38;
	[tilespmem:$0x8400] =	vst v63  }
0x58: {  	_ =	swait.ge [sflag:s3], $0x4000  }
0x59: {  	[sflag:s3] =	ssyncset.done $0x0  }
0x5a: {  	[sflag:s3] =	ssyncadd.s32 $0xFFFFC000  }
0x5b: {  	[tilespmem:s7], [sflag:$0x1] =	stream.indirect.gather [hbm4b:s5+s6], $0x80, s11, s6, $0xb8;
	[tilespmem:$0x8400] =	vst v63  }
0x5c: {  	_ =	swait.ge [sflag:s12], $0x4000  }
0x5d: {  	[sflag:s12] =	ssyncset.done $0x0  }
0x5e: {  	[sflag:s12] =	ssyncadd.s32 $0xFFFFC000  }
0x5f: {  	[hbm4b:s13+s2] =	stream.linear.scatter [tilespmem:s8], [sflag:$0x3], $0x4000, $0x38;
	[tilespmem:$0x8400] =	vst v63  }
0x60: {  	_ =	swait.ge [sflag:s3], $0x4000  }
0x61: {  	[sflag:s3] =	ssyncset.done $0x0  }
0x62: {  	[sflag:s3] =	ssyncadd.s32 $0xFFFFC000  }
0x63: {  	[tilespmem:s8], [sflag:$0x2] =	stream.indirect.gather [hbm4b:s5+s6], $0x80, s14, s6, $0xb8;
	[tilespmem:$0x8400] =	vst v63  }
0x64: {  	_ =	swait.ge [sflag:s9], $0x4000  }
0x65: {  	[sflag:s9] =	ssyncset.done $0x0  }
0x66: {  	[sflag:s9] =	ssyncadd.s32 $0xFFFFC000  }
0x67: {  	[hbm4b:s15+s2] =	stream.linear.scatter [tilespmem:s7], [sflag:$0x3], $0x4000, $0x38;
	[tilespmem:$0x8400] =	vst v63  }
0x68: {  	_ =	swait.ge [sflag:s3], $0x4000  }
0x69: {  	[sflag:s3] =	ssyncset.done $0x0  }
0x6a: {  	[sflag:s3] =	ssyncadd.s32 $0xFFFFC000  }
0x6b: {  	[tilespmem:s7], [sflag:$0x1] =	stream.indirect.gather [hbm4b:s5+s6], $0x80, s16, s6, $0xb8;
	[tilespmem:$0x8400] =	vst v63  }
0x6c: {  	_ =	swait.ge [sflag:s12], $0x4000  }
0x6d: {  	[sflag:s12] =	ssyncset.done $0x0  }
0x6e: {  	[sflag:s12] =	ssyncadd.s32 $0xFFFFC000  }
0x6f: {  	[hbm4b:s17+s2] =	stream.linear.scatter [tilespmem:s8], [sflag:$0x3], $0x4000, $0x38;
	[tilespmem:$0x8400] =	vst v63  }
0x70: {  	_ =	swait.ge [sflag:s3], $0x4000  }
0x71: {  	[sflag:s3] =	ssyncset.done $0x0  }
0x72: {  	[sflag:s3] =	ssyncadd.s32 $0xFFFFC000  }
0x73: {  	[tilespmem:s8], [sflag:$0x2] =	stream.indirect.gather [hbm4b:s5+s6], $0x80, s18, s6, $0xb8;
	[tilespmem:$0x8400] =	vst v63  }
0x74: {  	_ =	swait.ge [sflag:s9], $0x4000  }
0x75: {  	[sflag:s9] =	ssyncset.done $0x0  }
0x76: {  	[sflag:s9] =	ssyncadd.s32 $0xFFFFC000  }
0x77: {  	[hbm4b:s19+s2] =	stream.linear.scatter [tilespmem:s7], [sflag:$0x3], $0x4000, $0x38;
	[tilespmem:$0x8400] =	vst v63  }
0x78: {  	_ =	swait.ge [sflag:s3], $0x4000  }
0x79: {  	[sflag:s3] =	ssyncset.done $0x0  }
0x7a: {  	[sflag:s3] =	ssyncadd.s32 $0xFFFFC000  }
0x7b: {  	[tilespmem:s7], [sflag:$0x1] =	stream.indirect.gather [hbm4b:s5+s6], $0x80, s20, s6, $0xb8;
	[tilespmem:$0x8400] =	vst v63  }
0x7c: {  	_ =	swait.ge [sflag:s12], $0x4000  }
0x7d: {  	[sflag:s12] =	ssyncset.done $0x0  }
0x7e: {  	[sflag:s12] =	ssyncadd.s32 $0xFFFFC000  }
0x7f: {  	[hbm4b:s21+s2] =	stream.linear.scatter [tilespmem:s8], [sflag:$0x3], $0x4000, $0x38;
	[tilespmem:$0x8400] =	vst v63  }
0x80: {  	_ =	swait.ge [sflag:s3], $0x4000  }
0x81: {  	[sflag:s3] =	ssyncset.done $0x0  }
0x82: {  	[sflag:s3] =	ssyncadd.s32 $0xFFFFC000  }
0x83: {  	[tilespmem:s8], [sflag:$0x2] =	stream.indirect.gather [hbm4b:s5+s6], $0x80, s22, s6, $0xb8;
	[tilespmem:$0x8400] =	vst v63  }
0x84: {  	_ =	swait.ge [sflag:s9], $0x4000  }
0x85: {  	[sflag:s9] =	ssyncset.done $0x0  }
0x86: {  	[sflag:s9] =	ssyncadd.s32 $0xFFFFC000  }
0x87: {  	[hbm4b:s23+s2] =	stream.linear.scatter [tilespmem:s7], [sflag:$0x3], $0x4000, $0x38;
	[tilespmem:$0x8400] =	vst v63  }
0x88: {  	_ =	swait.ge [sflag:s3], $0x4000  }
0x89: {  	[sflag:s3] =	ssyncset.done $0x0  }
0x8a: {  	[sflag:s3] =	ssyncadd.s32 $0xFFFFC000  }
0x8b: {  	_ =	swait.ge [sflag:s12], $0x4000  }
.Ltmp1:
0x8c: {  	[sflag:s12] =	ssyncset.done $0x0;
	(pc) =	sbr.rel @p0 .LBB2_1-.Ltmp1, $4  }
0x8d: {  	[sflag:s12] =	ssyncadd.s32 $0xFFFFC000  }
0x8e: {  	[hbm4b:s24+s2] =	stream.linear.scatter [tilespmem:s8], [sflag:$0x3], $0x4000, $0x38;
	[tilespmem:$0x8400] =	vst v63  }
0x8f: {  	_ =	swait.ge [sflag:s3], $0x4000  }
0x90: {  	[sflag:s3] =	ssyncset.done $0x0  }
.LBB2_2:
0x91: {  	[sflag:s3] =	ssyncadd.s32 $0xFFFFC000  }
0x92: {  	_ =	sfence.sel $0x180000  }
0x93: {  	[bflag:$0x0] =	sbarrier.arrive $0xFFFF  }
0x94: {  	p0 =	sne.s32 s0, $0x0;
	_ =	strace $0x90000047  }
0x95: {  	s0 =	sadd.s32 @!p0 $0x100000, s1;
	[bflag:$0x2] =	sbarrier.arrive $0xFFFF  }
0x96: {  	[sflag:s0] =	ssyncadd.tile.s32 @!p0 $0x1;
	_ =	shalt  }
.Lfunc_end2:
_tile_overlayer_lowered:
.L_overlay_start_2:
0x97: {  	(tag) =	ssettag $0x2  }
0x98: {  	s0 =	rddreg [dreg:$0x0];
	s2 =	stileid.u32  }
0x99: {  	s1 =	rddreg [dreg:$0x1];
	p0 =	sne.s32 s2, $0x0  }
0x9a: {  	s3 =	rddreg [dreg:$0x2];
	[bflag:$0x3] =	sbarrier.arrive $0xFFFF;
	s2 =	simm.s32 @!p0 $0x1C03  }
0x9b: {  	[timem:s3], [sflag:s2] =	dma.local @!p0 [hbm:s0], s1  }
0x9c: {  	s0 =	simm.s32 @!p0 $0x3  }
0x9d: {  	_ =	swait.ge @!p0 [sflag:s0], s1  }
0x9e: {  	s1 =	ssub.s32 @!p0 $0x0, s1;
	[sflag:s0] =	ssyncset.done @!p0 $0x0  }
0x9f: {  	[sflag:s0] =	ssyncadd.s32 @!p0 s1  }
0xa0: {  	[bflag:$0x3] =	sbarrier.arrive $0xFFFF  }
0xa1: {  	_ =	shalt  }

</sc_bundles>
